<compile_context>
chip_gen: v7x
topology: tpu7x:2x2x1
jax: 0.10.2.dev20260603
libtpu: 0.0.44.dev20260713+nightly
codegen_flags: <defaults>
</compile_context>

<pallas_src>
import functools

import jax
import jax.numpy as jnp
from jax.experimental import pallas as pl
from jax.experimental.pallas import tpu as pltpu
from jax.experimental.pallas import tpu_sc as plsc

N = 10000
E = 160000
D = 256
H = 256
H3 = 768
RB = 1000
NBLK = N // RB
PLANE_ROWS = 5120
HALF = 5000

_PREC = jax.lax.Precision.HIGHEST

EGROUPS = 157
E_PAD = EGROUPS * 1024
EBLK = 1024
DST_PAD = 10008
DEG_ROWS = 10240
Z_ROWS = 10240
HALFE = E_PAD // 2
HCH = 512
def _hist_scs_body(dst_hbm, out_hbm, hist_smem, chunk_smem, sem):
    c = jax.lax.axis_index("core")

    @pl.loop(0, DEG_ROWS)
    def _(i):
        hist_smem[i] = 0.0

    @pl.loop(0, HALFE // HCH)
    def _(ch):
        pltpu.async_copy(
            dst_hbm.at[pl.ds(c * HALFE + ch * HCH, HCH)], chunk_smem,
            sem).wait()

        @pl.loop(0, HCH)
        def _(i):
            d = chunk_smem[i]
            hist_smem[d] += 1.0

    pltpu.async_copy(hist_smem, out_hbm.at[pl.ds(c * DEG_ROWS, DEG_ROWS)],
                     sem).wait()


def _deg_planes_sc(dst_flat):
    krn = pl.kernel(
        _hist_scs_body,
        out_type=jax.ShapeDtypeStruct((2 * DEG_ROWS,), jnp.float32),
        mesh=plsc.ScalarSubcoreMesh(axis_name="core", num_cores=2),
        scratch_types=[
            pltpu.SMEM((DEG_ROWS,), jnp.float32),
            pltpu.SMEM((HCH,), jnp.int32),
            pltpu.SemaphoreType.DMA,
        ],
    )
    return krn(dst_flat).reshape(2, DEG_ROWS, 1)


def _tcscat_kernel(si_ref, di_ref, y_ref, z_ref):
    @pl.when(pl.program_id(0) == 0)
    def _():
        z_ref[...] = jnp.zeros_like(z_ref)

    def body(e, carry):
        s_e = si_ref[0, 0, e]
        d_e = di_ref[0, 0, e]
        z_ref[pl.ds(d_e, 1), :] += y_ref[pl.ds(s_e, 1), :]
        return carry

    jax.lax.fori_loop(0, EBLK, body, 0, unroll=16)


def _z_scatter_tc(s3, d3, y):
    return pl.pallas_call(
        _tcscat_kernel,
        grid=(EGROUPS,),
        in_specs=[
            pl.BlockSpec((1, 1, EBLK), lambda i: (i, 0, 0),
                         memory_space=pltpu.SMEM),
            pl.BlockSpec((1, 1, EBLK), lambda i: (i, 0, 0),
                         memory_space=pltpu.SMEM),
            pl.BlockSpec((N, D), lambda i: (0, 0)),
        ],
        out_specs=pl.BlockSpec((Z_ROWS, D), lambda i: (0, 0)),
        out_shape=jax.ShapeDtypeStruct((Z_ROWS, D), jnp.float32),
    )(s3, d3, y)


def _scale_kernel(deg_ref, x_ref, w_ref, y_ref, dinv_ref):
    deg = deg_ref[0] + deg_ref[1] + 1.0
    dinv = jax.lax.rsqrt(deg)
    xw = jax.lax.dot_general(x_ref[...], w_ref[...], (((1,), (1,)), ((), ())),
                             preferred_element_type=jnp.float32,
                             precision=_PREC)
    y_ref[...] = dinv * xw
    dinv_ref[...] = dinv


def _gi_kernel(z_ref, y_ref, dinv_ref, bg_ref, wt_ref, bias_ref, gi_ref):
    g = dinv_ref[...] * (z_ref[...] + y_ref[...]) + bg_ref[...]
    gi_ref[...] = jax.lax.dot_general(g, wt_ref[...], (((1,), (0,)), ((), ())),
                                      preferred_element_type=jnp.float32,
                                      precision=_PREC) + bias_ref[...]


def _gru_kernel(h0_ref, gi_ref, wt_ref, bhn_ref, out_ref, h_scr):
    @pl.when(pl.program_id(0) == 0)
    def _():
        h_scr[...] = h0_ref[...]

    def body(t, h):
        gih = gi_ref[pl.ds(t, 1), :]
        gh = jax.lax.dot_general(h.astype(jnp.bfloat16), wt_ref[...],
                                 (((1,), (0,)), ((), ())),
                                 preferred_element_type=jnp.float32)
        rz = jax.nn.sigmoid(gih[:, 0:2 * H] + gh[:, 0:2 * H])
        r = rz[:, 0:H]
        zg = rz[:, H:2 * H]
        n = jnp.tanh(gih[:, 2 * H:] + r * (gh[:, 2 * H:] + bhn_ref[...]))
        hn = zg * (h - n) + n
        out_ref[pl.ds(t, 1), :] = hn
        return hn

    h_scr[...] = jax.lax.fori_loop(0, RB, body, h_scr[...], unroll=4)


def kernel(x, edge_index, W_gcn, b_gcn, W_ih, W_hh, b_ih, b_hh, h0):
    pad_src = jnp.zeros((E_PAD - E,), jnp.int32)
    pad_dst = jnp.full((E_PAD - E,), DST_PAD, jnp.int32)
    src_flat = jnp.concatenate([edge_index[0], pad_src])
    dst_flat = jnp.concatenate([edge_index[1], pad_dst])
    s3 = src_flat.reshape(EGROUPS, 1, EBLK)
    d3 = dst_flat.reshape(EGROUPS, 1, EBLK)

    deg_planes = _deg_planes_sc(dst_flat)

    y, dinv = pl.pallas_call(
        _scale_kernel,
        grid=(NBLK,),
        in_specs=[
            pl.BlockSpec((2, RB, 1), lambda i: (0, i, 0)),
            pl.BlockSpec((RB, D), lambda i: (i, 0)),
            pl.BlockSpec((D, D), lambda i: (0, 0)),
        ],
        out_specs=[
            pl.BlockSpec((RB, D), lambda i: (i, 0)),
            pl.BlockSpec((RB, 1), lambda i: (i, 0)),
        ],
        out_shape=[
            jax.ShapeDtypeStruct((N, D), jnp.float32),
            jax.ShapeDtypeStruct((N, 1), jnp.float32),
        ],
    )(deg_planes, x, W_gcn)

    z = _z_scatter_tc(s3, d3, y)

    bias1 = (b_ih + jnp.concatenate([b_hh[:2 * H], jnp.zeros((H,), jnp.float32)]))[None]
    gi = pl.pallas_call(
        _gi_kernel,
        grid=(NBLK,),
        in_specs=[
            pl.BlockSpec((RB, D), lambda i: (i, 0)),
            pl.BlockSpec((RB, D), lambda i: (i, 0)),
            pl.BlockSpec((RB, 1), lambda i: (i, 0)),
            pl.BlockSpec((1, D), lambda i: (0, 0)),
            pl.BlockSpec((D, H3), lambda i: (0, 0)),
            pl.BlockSpec((1, H3), lambda i: (0, 0)),
        ],
        out_specs=pl.BlockSpec((RB, H3), lambda i: (i, 0)),
        out_shape=jax.ShapeDtypeStruct((N, H3), jnp.float32),
    )(z, y, dinv, b_gcn[None], W_ih.T, bias1)

    seq = pl.pallas_call(
        _gru_kernel,
        grid=(NBLK,),
        in_specs=[
            pl.BlockSpec((1, H), lambda i: (0, 0)),
            pl.BlockSpec((RB, H3), lambda i: (i, 0)),
            pl.BlockSpec((H, H3), lambda i: (0, 0)),
            pl.BlockSpec((1, H), lambda i: (0, 0)),
        ],
        out_specs=pl.BlockSpec((RB, H), lambda i: (i, 0)),
        out_shape=jax.ShapeDtypeStruct((N, H), jnp.float32),
        scratch_shapes=[pltpu.VMEM((1, H), jnp.float32)],
    )(h0[0], gi, W_hh.T.astype(jnp.bfloat16), b_hh[2 * H:][None])

    out = seq[None]
    h_n = seq[N - 1:N][None]
    return out, h_n

# --- scband reference (transcript-rebuilt; emitter-appended) ---
"""Pipeline reference for scband-tgcn-70944269795926 (READ-ONLY COPY).

The authoritative reference and input builder live on the scoring server;
editing this copy changes nothing except your own understanding.
"""

import jax, jax.numpy as jnp
import numpy as np

N = 10000
E = 160000
D_IN = 256
D_OUT = 256
H = 256


def setup_inputs(seed: int = 0) -> dict:
    key = jax.random.key(seed)
    ks = jax.random.split(key, 10)
    x = jax.random.normal(ks[0], (N, D_IN), dtype=jnp.float32)
    edge_index = jax.random.randint(ks[1], (2, E), 0, N, dtype=jnp.int32)
    s = 1.0 / np.sqrt(D_IN)
    W_gcn = jax.random.uniform(ks[2], (D_OUT, D_IN), jnp.float32, -s, s)
    b_gcn = jnp.zeros((D_OUT,), jnp.float32)
    sh = 1.0 / np.sqrt(H)
    W_ih = jax.random.uniform(ks[3], (3 * H, D_OUT), jnp.float32, -sh, sh)
    W_hh = jax.random.uniform(ks[4], (3 * H, H), jnp.float32, -sh, sh)
    b_ih = jax.random.uniform(ks[5], (3 * H,), jnp.float32, -sh, sh)
    b_hh = jax.random.uniform(ks[6], (3 * H,), jnp.float32, -sh, sh)
    h0 = jax.random.normal(ks[7], (1, 1, H), jnp.float32)
    return {"x": x, "edge_index": edge_index, "W_gcn": W_gcn, "b_gcn": b_gcn,
            "W_ih": W_ih, "W_hh": W_hh, "b_ih": b_ih, "b_hh": b_hh, "h0": h0}


def _gcn(x, edge_index, W_gcn, b_gcn):
    src = edge_index[0]
    dst = edge_index[1]
    loop = jnp.arange(N, dtype=src.dtype)
    src_f = jnp.concatenate([src, loop])
    dst_f = jnp.concatenate([dst, loop])
    deg = jnp.zeros((N,), jnp.float32).at[dst_f].add(1.0)
    dinv = jnp.where(deg > 0, 1.0 / jnp.sqrt(deg), 0.0)
    norm = dinv[src_f] * dinv[dst_f]
    xw = x @ W_gcn.T
    msgs = xw[src_f] * norm[:, None]
    out = jnp.zeros((N, D_OUT), jnp.float32).at[dst_f].add(msgs)
    return out + b_gcn


def _gru(seq, h0, W_ih, W_hh, b_ih, b_hh):
    def step(h, xt):
        gi = W_ih @ xt + b_ih
        gh = W_hh @ h + b_hh
        ir, iz, inn = jnp.split(gi, 3)
        hr, hz, hn = jnp.split(gh, 3)
        r = jax.nn.sigmoid(ir + hr)
        z = jax.nn.sigmoid(iz + hz)
        n = jnp.tanh(inn + r * hn)
        h_new = (1.0 - z) * n + z * h
        return h_new, h_new
    hT, outs = jax.lax.scan(step, h0[0, 0], seq)
    return outs[None, :, :], hT[None, None, :]


def reference(x, edge_index, W_gcn, b_gcn, W_ih, W_hh, b_ih, b_hh, h0):
    g = _gcn(x, edge_index, W_gcn, b_gcn)
    out, h_n = _gru(g, h0, W_ih, W_hh, b_ih, b_hh)
    return out, h_n

if __name__ == "__main__":
    import jax
    _d = setup_inputs()
    print(jax.jit(kernel)(*tuple(_d.values())))

</pallas_src>

<mosaic_0001>
#map = affine_map<(d0) -> (0)>
module attributes {stable_mosaic.version = 14 : i64} {
  func.func @_hist_scs_body(%arg0: i32, %arg1: memref<160768xi32, #tpu.memory_space<hbm>>, %arg2: memref<20480xf32, #tpu.memory_space<hbm>>, %arg3: memref<10240xf32, #tpu.memory_space<smem>>, %arg4: memref<512xi32, #tpu.memory_space<smem>>, %arg5: memref<!tpu.dma_semaphore, #tpu.memory_space<semaphore_mem>>) attributes {dimension_semantics = [#tpu.dimension_semantics<core_parallel>], iteration_bounds = array<i64: 2>, scalar_prefetch = 0 : i64, scratch_operands = 3 : i64, tpu.core_type = #tpu.core_type<sc_scalar_subcore>, window_params = [{transform_indices = #map}, {transform_indices = #map}]} {
    %scan3A = arith.constant 0 : i32
    %scan3A_0 = arith.constant 10240 : i32
    %scan3A_1 = arith.addi %scan3A, %scan3A_0 : i32
    %scan3A_2 = arith.constant 1 : i32
    scf.for %scan3A_10 = %scan3A to %scan3A_1 step %scan3A_2  : i32 {
      %mul3A_11 = arith.constant 1 : i32
      %mul3A_12 = arith.muli %scan3A_10, %mul3A_11 : i32
      %add3A = arith.constant 0 : i32
      %add3A_13 = arith.addi %add3A, %mul3A_12 : i32
      %swap3A = arith.constant 0.000000e+00 : f32
      %swap3A_14 = arith.index_cast %add3A_13 : i32 to index
      %swap3A_15 = memref.load %arg3[%swap3A_14] : memref<10240xf32, #tpu.memory_space<smem>>
      memref.store %swap3A, %arg3[%swap3A_14] : memref<10240xf32, #tpu.memory_space<smem>>
    }
    %scan3A_3 = arith.constant 10240 : i32
    %scan3A_4 = arith.constant 0 : i32
    %scan3A_5 = arith.constant 157 : i32
    %scan3A_6 = arith.addi %scan3A_4, %scan3A_5 : i32
    %scan3A_7 = arith.constant 1 : i32
    scf.for %scan3A_10 = %scan3A_4 to %scan3A_6 step %scan3A_7  : i32 {
      %mul3A_11 = arith.constant 1 : i32
      %mul3A_12 = arith.muli %scan3A_10, %mul3A_11 : i32
      %add3A = arith.constant 0 : i32
      %add3A_13 = arith.addi %add3A, %mul3A_12 : i32
      %mul3A_14 = arith.constant 80384 : i32
      %mul3A_15 = arith.muli %arg0, %mul3A_14 : i32
      %mul3A_16 = arith.constant 512 : i32
      %mul3A_17 = arith.muli %add3A_13, %mul3A_16 : i32
      %add3A_18 = arith.addi %mul3A_15, %mul3A_17 : i32
      %dma_start3A_19 = tpu.memref_slice %arg1[%add3A_18] : memref<160768xi32, #tpu.memory_space<hbm>> -> memref<512xi32, #tpu.memory_space<hbm>>
      tpu.enqueue_dma source(%dma_start3A_19 : memref<512xi32, #tpu.memory_space<hbm>>) target(%arg4 : memref<512xi32, #tpu.memory_space<smem>>) target_semaphore(%arg5 : memref<!tpu.dma_semaphore, #tpu.memory_space<semaphore_mem>>)
      %dma_wait3A_20 = tpu.memref_slice %arg1[%add3A_18] : memref<160768xi32, #tpu.memory_space<hbm>> -> memref<512xi32, #tpu.memory_space<hbm>>
      tpu.wait_dma2 semaphore(%arg5 : memref<!tpu.dma_semaphore, #tpu.memory_space<semaphore_mem>>) src(%dma_wait3A_20 : memref<512xi32, #tpu.memory_space<hbm>>) dst(%arg4 : memref<512xi32, #tpu.memory_space<smem>>)
      %scan3A_21 = arith.constant 0 : i32
      %scan3A_22 = arith.constant 512 : i32
      %scan3A_23 = arith.addi %scan3A_21, %scan3A_22 : i32
      %scan3A_24 = arith.constant 1 : i32
      scf.for %scan3A_26 = %scan3A_21 to %scan3A_23 step %scan3A_24  : i32 {
        %mul3A_27 = arith.constant 1 : i32
        %mul3A_28 = arith.muli %scan3A_26, %mul3A_27 : i32
        %add3A_29 = arith.constant 0 : i32
        %add3A_30 = arith.addi %add3A_29, %mul3A_28 : i32
        %get3A = arith.index_cast %add3A_30 : i32 to index
        %get3A_31 = memref.load %arg4[%get3A] : memref<512xi32, #tpu.memory_space<smem>>
        %get3A_32 = arith.index_cast %get3A_31 : i32 to index
        %get3A_33 = memref.load %arg3[%get3A_32] : memref<10240xf32, #tpu.memory_space<smem>>
        %add3A_34 = arith.constant 1.000000e+00 : f32
        %add3A_35 = arith.addf %get3A_33, %add3A_34 : f32
        %swap3A = arith.index_cast %get3A_31 : i32 to index
        %swap3A_36 = memref.load %arg3[%swap3A] : memref<10240xf32, #tpu.memory_space<smem>>
        memref.store %add3A_35, %arg3[%swap3A] : memref<10240xf32, #tpu.memory_space<smem>>
      }
      %scan3A_25 = arith.constant 512 : i32
    }
    %scan3A_8 = arith.constant 157 : i32
    %mul3A = arith.constant 10240 : i32
    %mul3A_9 = arith.muli %arg0, %mul3A : i32
    %dma_start3A = tpu.memref_slice %arg2[%mul3A_9] : memref<20480xf32, #tpu.memory_space<hbm>> -> memref<10240xf32, #tpu.memory_space<hbm>>
    tpu.enqueue_dma source(%arg3 : memref<10240xf32, #tpu.memory_space<smem>>) target(%dma_start3A : memref<10240xf32, #tpu.memory_space<hbm>>) target_semaphore(%arg5 : memref<!tpu.dma_semaphore, #tpu.memory_space<semaphore_mem>>)
    %dma_wait3A = tpu.memref_slice %arg2[%mul3A_9] : memref<20480xf32, #tpu.memory_space<hbm>> -> memref<10240xf32, #tpu.memory_space<hbm>>
    tpu.wait_dma2 semaphore(%arg5 : memref<!tpu.dma_semaphore, #tpu.memory_space<semaphore_mem>>) src(%arg3 : memref<10240xf32, #tpu.memory_space<smem>>) dst(%dma_wait3A : memref<10240xf32, #tpu.memory_space<hbm>>)
    return
  }
}

module attributes {stable_mosaic.version = 14 : i64} {
  func.func @_scale_kernel(%arg0: i32, %arg1: memref<2x1000x1xf32, #tpu.memory_space<vmem>>, %arg2: memref<1000x256xf32, #tpu.memory_space<vmem>>, %arg3: memref<256x256xf32, #tpu.memory_space<vmem>>, %arg4: memref<1000x256xf32, #tpu.memory_space<vmem>>, %arg5: memref<1000x1xf32, #tpu.memory_space<vmem>>) attributes {dimension_semantics = [#tpu.dimension_semantics<arbitrary>], iteration_bounds = array<i64: 10>, scalar_prefetch = 0 : i64, scratch_operands = 0 : i64, tpu.core_type = #tpu.core_type<tc>, window_params = [{transform_indices = @transform_0, window_bounds = array<i64: 2, 1000, 1>}, {transform_indices = @transform_1, window_bounds = array<i64: 1000, 256>}, {pipeline_mode = #tpu.pipeline_mode<synchronous>, transform_indices = @transform_2, window_bounds = array<i64: 256, 256>}, {transform_indices = @transform_3, window_bounds = array<i64: 1000, 256>}, {transform_indices = @transform_4, window_bounds = array<i64: 1000, 1>}]} {
    %get3A = arith.constant 0 : index
    %get3A_0 = arith.constant 0 : index
    %get3A_1 = arith.constant 0 : index
    %get3A_2 = vector.load %arg1[%get3A, %get3A_0, %get3A_1] : memref<2x1000x1xf32, #tpu.memory_space<vmem>>, vector<1x1000x1xf32>
    %get3A_3 = vector.shape_cast %get3A_2 : vector<1x1000x1xf32> to vector<1000x1xf32>
    %get3A_4 = arith.constant 1 : index
    %get3A_5 = arith.constant 0 : index
    %get3A_6 = arith.constant 0 : index
    %get3A_7 = vector.load %arg1[%get3A_4, %get3A_5, %get3A_6] : memref<2x1000x1xf32, #tpu.memory_space<vmem>>, vector<1x1000x1xf32>
    %get3A_8 = vector.shape_cast %get3A_7 : vector<1x1000x1xf32> to vector<1000x1xf32>
    %add3A = arith.addf %get3A_3, %get3A_8 : vector<1000x1xf32>
    %add3A_9 = arith.constant 1.000000e+00 : f32
    %add3A_10 = vector.broadcast %add3A_9 : f32 to vector<1000x1xf32>
    %add3A_11 = arith.addf %add3A, %add3A_10 : vector<1000x1xf32>
    %rsqrt3A = math.rsqrt %add3A_11 : vector<1000x1xf32>
    %get3A_12 = arith.constant 0 : index
    %get3A_13 = arith.constant 0 : index
    %get3A_14 = vector.load %arg2[%get3A_12, %get3A_13] : memref<1000x256xf32, #tpu.memory_space<vmem>>, vector<1000x256xf32>
    %get3A_15 = arith.constant 0 : index
    %get3A_16 = arith.constant 0 : index
    %get3A_17 = vector.load %arg3[%get3A_15, %get3A_16] : memref<256x256xf32, #tpu.memory_space<vmem>>, vector<256x256xf32>
    %dot_general3A = arith.constant dense<0.000000e+00> : vector<1000x256xf32>
    %dot_general3A_18 = tpu.matmul %get3A_14, %get3A_17, %dot_general3A {dimension_numbers = #tpu.dot_dimension_numbers<[1], [1], [0], [0], [0, 0, 1, 0], [], []>, precision = #tpu.contract_precision<fp32>, transpose_lhs_hint = false} : vector<1000x256xf32>, vector<256x256xf32>, vector<1000x256xf32> -> vector<1000x256xf32>
    %mul3A = vector.broadcast %rsqrt3A : vector<1000x1xf32> to vector<1000x256xf32>
    %mul3A_19 = arith.mulf %mul3A, %dot_general3A_18 : vector<1000x256xf32>
    %swap3A = arith.constant 0 : index
    %swap3A_20 = arith.constant 0 : index
    %swap3A_21 = vector.load %arg4[%swap3A, %swap3A_20] : memref<1000x256xf32, #tpu.memory_space<vmem>>, vector<1000x256xf32>
    tpu.vector_store %arg4[%swap3A, %swap3A_20], %mul3A_19 {strides = array<i32>} : memref<1000x256xf32, #tpu.memory_space<vmem>>, vector<1000x256xf32>,
    %swap3A_22 = arith.constant 0 : index
    %swap3A_23 = arith.constant 0 : index
    %swap3A_24 = vector.load %arg5[%swap3A_22, %swap3A_23] : memref<1000x1xf32, #tpu.memory_space<vmem>>, vector<1000x1xf32>
    tpu.vector_store %arg5[%swap3A_22, %swap3A_23], %rsqrt3A {strides = array<i32>} : memref<1000x1xf32, #tpu.memory_space<vmem>>, vector<1000x1xf32>,
    return
  }
  func.func @transform_0(%arg0: i32) -> (i32, i32, i32) {
    %c0_i32 = arith.constant 0 : i32
    %c0_i32_0 = arith.constant 0 : i32
    %c0_i32_1 = arith.constant 0 : i32
    return %c0_i32, %arg0, %c0_i32_0 : i32, i32, i32
  }
  func.func @transform_1(%arg0: i32) -> (i32, i32) {
    %c0_i32 = arith.constant 0 : i32
    %c0_i32_0 = arith.constant 0 : i32
    return %arg0, %c0_i32 : i32, i32
  }
  func.func @transform_2(%arg0: i32) -> (i32, i32) {
    %c0_i32 = arith.constant 0 : i32
    %c0_i32_0 = arith.constant 0 : i32
    %c0_i32_1 = arith.constant 0 : i32
    return %c0_i32, %c0_i32_0 : i32, i32
  }
  func.func @transform_3(%arg0: i32) -> (i32, i32) {
    %c0_i32 = arith.constant 0 : i32
    %c0_i32_0 = arith.constant 0 : i32
    return %arg0, %c0_i32 : i32, i32
  }
  func.func @transform_4(%arg0: i32) -> (i32, i32) {
    %c0_i32 = arith.constant 0 : i32
    %c0_i32_0 = arith.constant 0 : i32
    return %arg0, %c0_i32 : i32, i32
  }
}

module attributes {stable_mosaic.version = 14 : i64} {
  func.func @_tcscat_kernel(%arg0: i32, %arg1: memref<1x1x1024xi32, #tpu.memory_space<smem>>, %arg2: memref<1x1x1024xi32, #tpu.memory_space<smem>>, %arg3: memref<10000x256xf32, #tpu.memory_space<vmem>>, %arg4: memref<10240x256xf32, #tpu.memory_space<vmem>>) attributes {dimension_semantics = [#tpu.dimension_semantics<arbitrary>], iteration_bounds = array<i64: 157>, scalar_prefetch = 0 : i64, scratch_operands = 0 : i64, tpu.core_type = #tpu.core_type<tc>, window_params = [{transform_indices = @transform_0, window_bounds = array<i64: 1, 1, 1024>}, {transform_indices = @transform_1, window_bounds = array<i64: 1, 1, 1024>}, {pipeline_mode = #tpu.pipeline_mode<synchronous>, transform_indices = @transform_2, window_bounds = array<i64: 10000, 256>}, {pipeline_mode = #tpu.pipeline_mode<synchronous>, transform_indices = @transform_3, window_bounds = array<i64: 10240, 256>}]} {
    %eq3A = arith.constant 0 : i32
    %eq3A_0 = arith.cmpi eq, %arg0, %eq3A : i32
    %convert_element_type3A = arith.extui %eq3A_0 : i1 to i32
    %cond3A = arith.constant 0 : i32
    %cond3A_1 = arith.cmpi ne, %convert_element_type3A, %cond3A : i32
    scf.if %cond3A_1 {
      %broadcast_in_dim3A = arith.constant 0.000000e+00 : f32
      %broadcast_in_dim3A_6 = vector.broadcast %broadcast_in_dim3A : f32 to vector<10240x256xf32>
      %swap3A = arith.constant 0 : index
      %swap3A_7 = arith.constant 0 : index
      %swap3A_8 = vector.load %arg4[%swap3A, %swap3A_7] : memref<10240x256xf32, #tpu.memory_space<vmem>>, vector<10240x256xf32>
      tpu.vector_store %arg4[%swap3A, %swap3A_7], %broadcast_in_dim3A_6 {strides = array<i32>} : memref<10240x256xf32, #tpu.memory_space<vmem>>, vector<10240x256xf32>,
    } else {
    }
    %scan3A = arith.constant 0 : i32
    %scan3A_2 = arith.constant 1024 : i32
    %scan3A_3 = arith.addi %scan3A, %scan3A_2 : i32
    %scan3A_4 = arith.constant 16 : i32
    scf.for %scan3A_6 = %scan3A to %scan3A_3 step %scan3A_4  : i32 {
      %get3A = arith.constant 0 : index
      %get3A_7 = arith.constant 0 : index
      %get3A_8 = arith.index_cast %scan3A_6 : i32 to index
      %get3A_9 = memref.load %arg1[%get3A, %get3A_7, %get3A_8] : memref<1x1x1024xi32, #tpu.memory_space<smem>>
      %get3A_10 = arith.constant 0 : index
      %get3A_11 = arith.constant 0 : index
      %get3A_12 = arith.index_cast %scan3A_6 : i32 to index
      %get3A_13 = memref.load %arg2[%get3A_10, %get3A_11, %get3A_12] : memref<1x1x1024xi32, #tpu.memory_space<smem>>
      %get3A_14 = arith.index_cast %get3A_13 : i32 to index
      %get3A_15 = arith.constant 0 : index
      %get3A_16 = vector.load %arg4[%get3A_14, %get3A_15] : memref<10240x256xf32, #tpu.memory_space<vmem>>, vector<1x256xf32>
      %get3A_17 = arith.index_cast %get3A_9 : i32 to index
      %get3A_18 = arith.constant 0 : index
      %get3A_19 = vector.load %arg3[%get3A_17, %get3A_18] : memref<10000x256xf32, #tpu.memory_space<vmem>>, vector<1x256xf32>
      %add3A = arith.addf %get3A_16, %get3A_19 : vector<1x256xf32>
      %swap3A = arith.index_cast %get3A_13 : i32 to index
      %swap3A_20 = arith.constant 0 : index
      %swap3A_21 = vector.load %arg4[%swap3A, %swap3A_20] : memref<10240x256xf32, #tpu.memory_space<vmem>>, vector<1x256xf32>
      tpu.vector_store %arg4[%swap3A, %swap3A_20], %add3A {strides = array<i32>} : memref<10240x256xf32, #tpu.memory_space<vmem>>, vector<1x256xf32>,
      %scan3A_22 = arith.constant 1 : i32
      %scan3A_23 = arith.addi %scan3A_6, %scan3A_22 : i32
      %get3A_24 = arith.constant 0 : index
      %get3A_25 = arith.constant 0 : index
      %get3A_26 = arith.index_cast %scan3A_23 : i32 to index
      %get3A_27 = memref.load %arg1[%get3A_24, %get3A_25, %get3A_26] : memref<1x1x1024xi32, #tpu.memory_space<smem>>
      %get3A_28 = arith.constant 0 : index
      %get3A_29 = arith.constant 0 : index
      %get3A_30 = arith.index_cast %scan3A_23 : i32 to index
      %get3A_31 = memref.load %arg2[%get3A_28, %get3A_29, %get3A_30] : memref<1x1x1024xi32, #tpu.memory_space<smem>>
      %get3A_32 = arith.index_cast %get3A_31 : i32 to index
      %get3A_33 = arith.constant 0 : index
      %get3A_34 = vector.load %arg4[%get3A_32, %get3A_33] : memref<10240x256xf32, #tpu.memory_space<vmem>>, vector<1x256xf32>
      %get3A_35 = arith.index_cast %get3A_27 : i32 to index
      %get3A_36 = arith.constant 0 : index
      %get3A_37 = vector.load %arg3[%get3A_35, %get3A_36] : memref<10000x256xf32, #tpu.memory_space<vmem>>, vector<1x256xf32>
      %add3A_38 = arith.addf %get3A_34, %get3A_37 : vector<1x256xf32>
      %swap3A_39 = arith.index_cast %get3A_31 : i32 to index
      %swap3A_40 = arith.constant 0 : index
      %swap3A_41 = vector.load %arg4[%swap3A_39, %swap3A_40] : memref<10240x256xf32, #tpu.memory_space<vmem>>, vector<1x256xf32>
      tpu.vector_store %arg4[%swap3A_39, %swap3A_40], %add3A_38 {strides = array<i32>} : memref<10240x256xf32, #tpu.memory_space<vmem>>, vector<1x256xf32>,
      %scan3A_42 = arith.constant 2 : i32
      %scan3A_43 = arith.addi %scan3A_6, %scan3A_42 : i32
      %get3A_44 = arith.constant 0 : index
      %get3A_45 = arith.constant 0 : index
      %get3A_46 = arith.index_cast %scan3A_43 : i32 to index
      %get3A_47 = memref.load %arg1[%get3A_44, %get3A_45, %get3A_46] : memref<1x1x1024xi32, #tpu.memory_space<smem>>
      %get3A_48 = arith.constant 0 : index
      %get3A_49 = arith.constant 0 : index
      %get3A_50 = arith.index_cast %scan3A_43 : i32 to index
      %get3A_51 = memref.load %arg2[%get3A_48, %get3A_49, %get3A_50] : memref<1x1x1024xi32, #tpu.memory_space<smem>>
      %get3A_52 = arith.index_cast %get3A_51 : i32 to index
      %get3A_53 = arith.constant 0 : index
      %get3A_54 = vector.load %arg4[%get3A_52, %get3A_53] : memref<10240x256xf32, #tpu.memory_space<vmem>>, vector<1x256xf32>
      %get3A_55 = arith.index_cast %get3A_47 : i32 to index
      %get3A_56 = arith.constant 0 : index
      %get3A_57 = vector.load %arg3[%get3A_55, %get3A_56] : memref<10000x256xf32, #tpu.memory_space<vmem>>, vector<1x256xf32>
      %add3A_58 = arith.addf %get3A_54, %get3A_57 : vector<1x256xf32>
      %swap3A_59 = arith.index_cast %get3A_51 : i32 to index
      %swap3A_60 = arith.constant 0 : index
      %swap3A_61 = vector.load %arg4[%swap3A_59, %swap3A_60] : memref<10240x256xf32, #tpu.memory_space<vmem>>, vector<1x256xf32>
      tpu.vector_store %arg4[%swap3A_59, %swap3A_60], %add3A_58 {strides = array<i32>} : memref<10240x256xf32, #tpu.memory_space<vmem>>, vector<1x256xf32>,
      %scan3A_62 = arith.constant 3 : i32
      %scan3A_63 = arith.addi %scan3A_6, %scan3A_62 : i32
      %get3A_64 = arith.constant 0 : index
      %get3A_65 = arith.constant 0 : index
      %get3A_66 = arith.index_cast %scan3A_63 : i32 to index
      %get3A_67 = memref.load %arg1[%get3A_64, %get3A_65, %get3A_66] : memref<1x1x1024xi32, #tpu.memory_space<smem>>
      %get3A_68 = arith.constant 0 : index
      %get3A_69 = arith.constant 0 : index
      %get3A_70 = arith.index_cast %scan3A_63 : i32 to index
      %get3A_71 = memref.load %arg2[%get3A_68, %get3A_69, %get3A_70] : memref<1x1x1024xi32, #tpu.memory_space<smem>>
      %get3A_72 = arith.index_cast %get3A_71 : i32 to index
      %get3A_73 = arith.constant 0 : index
      %get3A_74 = vector.load %arg4[%get3A_72, %get3A_73] : memref<10240x256xf32, #tpu.memory_space<vmem>>, vector<1x256xf32>
      %get3A_75 = arith.index_cast %get3A_67 : i32 to index
      %get3A_76 = arith.constant 0 : index
      %get3A_77 = vector.load %arg3[%get3A_75, %get3A_76] : memref<10000x256xf32, #tpu.memory_space<vmem>>, vector<1x256xf32>
      %add3A_78 = arith.addf %get3A_74, %get3A_77 : vector<1x256xf32>
      %swap3A_79 = arith.index_cast %get3A_71 : i32 to index
      %swap3A_80 = arith.constant 0 : index
      %swap3A_81 = vector.load %arg4[%swap3A_79, %swap3A_80] : memref<10240x256xf32, #tpu.memory_space<vmem>>, vector<1x256xf32>
      tpu.vector_store %arg4[%swap3A_79, %swap3A_80], %add3A_78 {strides = array<i32>} : memref<10240x256xf32, #tpu.memory_space<vmem>>, vector<1x256xf32>,
      %scan3A_82 = arith.constant 4 : i32
      %scan3A_83 = arith.addi %scan3A_6, %scan3A_82 : i32
      %get3A_84 = arith.constant 0 : index
      %get3A_85 = arith.constant 0 : index
      %get3A_86 = arith.index_cast %scan3A_83 : i32 to index
      %get3A_87 = memref.load %arg1[%get3A_84, %get3A_85, %get3A_86] : memref<1x1x1024xi32, #tpu.memory_space<smem>>
      %get3A_88 = arith.constant 0 : index
      %get3A_89 = arith.constant 0 : index
      %get3A_90 = arith.index_cast %scan3A_83 : i32 to index
      %get3A_91 = memref.load %arg2[%get3A_88, %get3A_89, %get3A_90] : memref<1x1x1024xi32, #tpu.memory_space<smem>>
      %get3A_92 = arith.index_cast %get3A_91 : i32 to index
      %get3A_93 = arith.constant 0 : index
      %get3A_94 = vector.load %arg4[%get3A_92, %get3A_93] : memref<10240x256xf32, #tpu.memory_space<vmem>>, vector<1x256xf32>
      %get3A_95 = arith.index_cast %get3A_87 : i32 to index
      %get3A_96 = arith.constant 0 : index
      %get3A_97 = vector.load %arg3[%get3A_95, %get3A_96] : memref<10000x256xf32, #tpu.memory_space<vmem>>, vector<1x256xf32>
      %add3A_98 = arith.addf %get3A_94, %get3A_97 : vector<1x256xf32>
      %swap3A_99 = arith.index_cast %get3A_91 : i32 to index
      %swap3A_100 = arith.constant 0 : index
      %swap3A_101 = vector.load %arg4[%swap3A_99, %swap3A_100] : memref<10240x256xf32, #tpu.memory_space<vmem>>, vector<1x256xf32>
      tpu.vector_store %arg4[%swap3A_99, %swap3A_100], %add3A_98 {strides = array<i32>} : memref<10240x256xf32, #tpu.memory_space<vmem>>, vector<1x256xf32>,
      %scan3A_102 = arith.constant 5 : i32
      %scan3A_103 = arith.addi %scan3A_6, %scan3A_102 : i32
      %get3A_104 = arith.constant 0 : index
      %get3A_105 = arith.constant 0 : index
      %get3A_106 = arith.index_cast %scan3A_103 : i32 to index
      %get3A_107 = memref.load %arg1[%get3A_104, %get3A_105, %get3A_106] : memref<1x1x1024xi32, #tpu.memory_space<smem>>
      %get3A_108 = arith.constant 0 : index
      %get3A_109 = arith.constant 0 : index
      %get3A_110 = arith.index_cast %scan3A_103 : i32 to index
      %get3A_111 = memref.load %arg2[%get3A_108, %get3A_109, %get3A_110] : memref<1x1x1024xi32, #tpu.memory_space<smem>>
      %get3A_112 = arith.index_cast %get3A_111 : i32 to index
      %get3A_113 = arith.constant 0 : index
      %get3A_114 = vector.load %arg4[%get3A_112, %get3A_113] : memref<10240x256xf32, #tpu.memory_space<vmem>>, vector<1x256xf32>
      %get3A_115 = arith.index_cast %get3A_107 : i32 to index
      %get3A_116 = arith.constant 0 : index
      %get3A_117 = vector.load %arg3[%get3A_115, %get3A_116] : memref<10000x256xf32, #tpu.memory_space<vmem>>, vector<1x256xf32>
      %add3A_118 = arith.addf %get3A_114, %get3A_117 : vector<1x256xf32>
      %swap3A_119 = arith.index_cast %get3A_111 : i32 to index
      %swap3A_120 = arith.constant 0 : index
      %swap3A_121 = vector.load %arg4[%swap3A_119, %swap3A_120] : memref<10240x256xf32, #tpu.memory_space<vmem>>, vector<1x256xf32>
      tpu.vector_store %arg4[%swap3A_119, %swap3A_120], %add3A_118 {strides = array<i32>} : memref<10240x256xf32, #tpu.memory_space<vmem>>, vector<1x256xf32>,
      %scan3A_122 = arith.constant 6 : i32
      %scan3A_123 = arith.addi %scan3A_6, %scan3A_122 : i32
      %get3A_124 = arith.constant 0 : index
      %get3A_125 = arith.constant 0 : index
      %get3A_126 = arith.index_cast %scan3A_123 : i32 to index
      %get3A_127 = memref.load %arg1[%get3A_124, %get3A_125, %get3A_126] : memref<1x1x1024xi32, #tpu.memory_space<smem>>
      %get3A_128 = arith.constant 0 : index
      %get3A_129 = arith.constant 0 : index
      %get3A_130 = arith.index_cast %scan3A_123 : i32 to index
      %get3A_131 = memref.load %arg2[%get3A_128, %get3A_129, %get3A_130] : memref<1x1x1024xi32, #tpu.memory_space<smem>>
      %get3A_132 = arith.index_cast %get3A_131 : i32 to index
      %get3A_133 = arith.constant 0 : index
      %get3A_134 = vector.load %arg4[%get3A_132, %get3A_133] : memref<10240x256xf32, #tpu.memory_space<vmem>>, vector<1x256xf32>
      %get3A_135 = arith.index_cast %get3A_127 : i32 to index
      %get3A_136 = arith.constant 0 : index
      %get3A_137 = vector.load %arg3[%get3A_135, %get3A_136] : memref<10000x256xf32, #tpu.memory_space<vmem>>, vector<1x256xf32>
      %add3A_138 = arith.addf %get3A_134, %get3A_137 : vector<1x256xf32>
      %swap3A_139 = arith.index_cast %get3A_131 : i32 to index
      %swap3A_140 = arith.constant 0 : index
      %swap3A_141 = vector.load %arg4[%swap3A_139, %swap3A_140] : memref<10240x256xf32, #tpu.memory_space<vmem>>, vector<1x256xf32>
      tpu.vector_store %arg4[%swap3A_139, %swap3A_140], %add3A_138 {strides = array<i32>} : memref<10240x256xf32, #tpu.memory_space<vmem>>, vector<1x256xf32>,
      %scan3A_142 = arith.constant 7 : i32
      %scan3A_143 = arith.addi %scan3A_6, %scan3A_142 : i32
      %get3A_144 = arith.constant 0 : index
      %get3A_145 = arith.constant 0 : index
      %get3A_146 = arith.index_cast %scan3A_143 : i32 to index
      %get3A_147 = memref.load %arg1[%get3A_144, %get3A_145, %get3A_146] : memref<1x1x1024xi32, #tpu.memory_space<smem>>
      %get3A_148 = arith.constant 0 : index
      %get3A_149 = arith.constant 0 : index
      %get3A_150 = arith.index_cast %scan3A_143 : i32 to index
      %get3A_151 = memref.load %arg2[%get3A_148, %get3A_149, %get3A_150] : memref<1x1x1024xi32, #tpu.memory_space<smem>>
      %get3A_152 = arith.index_cast %get3A_151 : i32 to index
      %get3A_153 = arith.constant 0 : index
      %get3A_154 = vector.load %arg4[%get3A_152, %get3A_153] : memref<10240x256xf32, #tpu.memory_space<vmem>>, vector<1x256xf32>
      %get3A_155 = arith.index_cast %get3A_147 : i32 to index
      %get3A_156 = arith.constant 0 : index
      %get3A_157 = vector.load %arg3[%get3A_155, %get3A_156] : memref<10000x256xf32, #tpu.memory_space<vmem>>, vector<1x256xf32>
      %add3A_158 = arith.addf %get3A_154, %get3A_157 : vector<1x256xf32>
      %swap3A_159 = arith.index_cast %get3A_151 : i32 to index
      %swap3A_160 = arith.constant 0 : index
      %swap3A_161 = vector.load %arg4[%swap3A_159, %swap3A_160] : memref<10240x256xf32, #tpu.memory_space<vmem>>, vector<1x256xf32>
      tpu.vector_store %arg4[%swap3A_159, %swap3A_160], %add3A_158 {strides = array<i32>} : memref<10240x256xf32, #tpu.memory_space<vmem>>, vector<1x256xf32>,
      %scan3A_162 = arith.constant 8 : i32
      %scan3A_163 = arith.addi %scan3A_6, %scan3A_162 : i32
      %get3A_164 = arith.constant 0 : index
      %get3A_165 = arith.constant 0 : index
      %get3A_166 = arith.index_cast %scan3A_163 : i32 to index
      %get3A_167 = memref.load %arg1[%get3A_164, %get3A_165, %get3A_166] : memref<1x1x1024xi32, #tpu.memory_space<smem>>
      %get3A_168 = arith.constant 0 : index
      %get3A_169 = arith.constant 0 : index
      %get3A_170 = arith.index_cast %scan3A_163 : i32 to index
      %get3A_171 = memref.load %arg2[%get3A_168, %get3A_169, %get3A_170] : memref<1x1x1024xi32, #tpu.memory_space<smem>>
      %get3A_172 = arith.index_cast %get3A_171 : i32 to index
      %get3A_173 = arith.constant 0 : index
      %get3A_174 = vector.load %arg4[%get3A_172, %get3A_173] : memref<10240x256xf32, #tpu.memory_space<vmem>>, vector<1x256xf32>
      %get3A_175 = arith.index_cast %get3A_167 : i32 to index
      %get3A_176 = arith.constant 0 : index
      %get3A_177 = vector.load %arg3[%get3A_175, %get3A_176] : memref<10000x256xf32, #tpu.memory_space<vmem>>, vector<1x256xf32>
      %add3A_178 = arith.addf %get3A_174, %get3A_177 : vector<1x256xf32>
      %swap3A_179 = arith.index_cast %get3A_171 : i32 to index
      %swap3A_180 = arith.constant 0 : index
      %swap3A_181 = vector.load %arg4[%swap3A_179, %swap3A_180] : memref<10240x256xf32, #tpu.memory_space<vmem>>, vector<1x256xf32>
      tpu.vector_store %arg4[%swap3A_179, %swap3A_180], %add3A_178 {strides = array<i32>} : memref<10240x256xf32, #tpu.memory_space<vmem>>, vector<1x256xf32>,
      %scan3A_182 = arith.constant 9 : i32
      %scan3A_183 = arith.addi %scan3A_6, %scan3A_182 : i32
      %get3A_184 = arith.constant 0 : index
      %get3A_185 = arith.constant 0 : index
      %get3A_186 = arith.index_cast %scan3A_183 : i32 to index
      %get3A_187 = memref.load %arg1[%get3A_184, %get3A_185, %get3A_186] : memref<1x1x1024xi32, #tpu.memory_space<smem>>
      %get3A_188 = arith.constant 0 : index
      %get3A_189 = arith.constant 0 : index
      %get3A_190 = arith.index_cast %scan3A_183 : i32 to index
      %get3A_191 = memref.load %arg2[%get3A_188, %get3A_189, %get3A_190] : memref<1x1x1024xi32, #tpu.memory_space<smem>>
      %get3A_192 = arith.index_cast %get3A_191 : i32 to index
      %get3A_193 = arith.constant 0 : index
      %get3A_194 = vector.load %arg4[%get3A_192, %get3A_193] : memref<10240x256xf32, #tpu.memory_space<vmem>>, vector<1x256xf32>
      %get3A_195 = arith.index_cast %get3A_187 : i32 to index
      %get3A_196 = arith.constant 0 : index
      %get3A_197 = vector.load %arg3[%get3A_195, %get3A_196] : memref<10000x256xf32, #tpu.memory_space<vmem>>, vector<1x256xf32>
      %add3A_198 = arith.addf %get3A_194, %get3A_197 : vector<1x256xf32>
      %swap3A_199 = arith.index_cast %get3A_191 : i32 to index
      %swap3A_200 = arith.constant 0 : index
      %swap3A_201 = vector.load %arg4[%swap3A_199, %swap3A_200] : memref<10240x256xf32, #tpu.memory_space<vmem>>, vector<1x256xf32>
      tpu.vector_store %arg4[%swap3A_199, %swap3A_200], %add3A_198 {strides = array<i32>} : memref<10240x256xf32, #tpu.memory_space<vmem>>, vector<1x256xf32>,
      %scan3A_202 = arith.constant 10 : i32
      %scan3A_203 = arith.addi %scan3A_6, %scan3A_202 : i32
      %get3A_204 = arith.constant 0 : index
      %get3A_205 = arith.constant 0 : index
      %get3A_206 = arith.index_cast %scan3A_203 : i32 to index
      %get3A_207 = memref.load %arg1[%get3A_204, %get3A_205, %get3A_206] : memref<1x1x1024xi32, #tpu.memory_space<smem>>
      %get3A_208 = arith.constant 0 : index
      %get3A_209 = arith.constant 0 : index
      %get3A_210 = arith.index_cast %scan3A_203 : i32 to index
      %get3A_211 = memref.load %arg2[%get3A_208, %get3A_209, %get3A_210] : memref<1x1x1024xi32, #tpu.memory_space<smem>>
      %get3A_212 = arith.index_cast %get3A_211 : i32 to index
      %get3A_213 = arith.constant 0 : index
      %get3A_214 = vector.load %arg4[%get3A_212, %get3A_213] : memref<10240x256xf32, #tpu.memory_space<vmem>>, vector<1x256xf32>
      %get3A_215 = arith.index_cast %get3A_207 : i32 to index
      %get3A_216 = arith.constant 0 : index
      %get3A_217 = vector.load %arg3[%get3A_215, %get3A_216] : memref<10000x256xf32, #tpu.memory_space<vmem>>, vector<1x256xf32>
      %add3A_218 = arith.addf %get3A_214, %get3A_217 : vector<1x256xf32>
      %swap3A_219 = arith.index_cast %get3A_211 : i32 to index
      %swap3A_220 = arith.constant 0 : index
      %swap3A_221 = vector.load %arg4[%swap3A_219, %swap3A_220] : memref<10240x256xf32, #tpu.memory_space<vmem>>, vector<1x256xf32>
      tpu.vector_store %arg4[%swap3A_219, %swap3A_220], %add3A_218 {strides = array<i32>} : memref<10240x256xf32, #tpu.memory_space<vmem>>, vector<1x256xf32>,
      %scan3A_222 = arith.constant 11 : i32
      %scan3A_223 = arith.addi %scan3A_6, %scan3A_222 : i32
      %get3A_224 = arith.constant 0 : index
      %get3A_225 = arith.constant 0 : index
      %get3A_226 = arith.index_cast %scan3A_223 : i32 to index
      %get3A_227 = memref.load %arg1[%get3A_224, %get3A_225, %get3A_226] : memref<1x1x1024xi32, #tpu.memory_space<smem>>
      %get3A_228 = arith.constant 0 : index
      %get3A_229 = arith.constant 0 : index
      %get3A_230 = arith.index_cast %scan3A_223 : i32 to index
      %get3A_231 = memref.load %arg2[%get3A_228, %get3A_229, %get3A_230] : memref<1x1x1024xi32, #tpu.memory_space<smem>>
      %get3A_232 = arith.index_cast %get3A_231 : i32 to index
      %get3A_233 = arith.constant 0 : index
      %get3A_234 = vector.load %arg4[%get3A_232, %get3A_233] : memref<10240x256xf32, #tpu.memory_space<vmem>>, vector<1x256xf32>
      %get3A_235 = arith.index_cast %get3A_227 : i32 to index
      %get3A_236 = arith.constant 0 : index
      %get3A_237 = vector.load %arg3[%get3A_235, %get3A_236] : memref<10000x256xf32, #tpu.memory_space<vmem>>, vector<1x256xf32>
      %add3A_238 = arith.addf %get3A_234, %get3A_237 : vector<1x256xf32>
      %swap3A_239 = arith.index_cast %get3A_231 : i32 to index
      %swap3A_240 = arith.constant 0 : index
      %swap3A_241 = vector.load %arg4[%swap3A_239, %swap3A_240] : memref<10240x256xf32, #tpu.memory_space<vmem>>, vector<1x256xf32>
      tpu.vector_store %arg4[%swap3A_239, %swap3A_240], %add3A_238 {strides = array<i32>} : memref<10240x256xf32, #tpu.memory_space<vmem>>, vector<1x256xf32>,
      %scan3A_242 = arith.constant 12 : i32
      %scan3A_243 = arith.addi %scan3A_6, %scan3A_242 : i32
      %get3A_244 = arith.constant 0 : index
      %get3A_245 = arith.constant 0 : index
      %get3A_246 = arith.index_cast %scan3A_243 : i32 to index
      %get3A_247 = memref.load %arg1[%get3A_244, %get3A_245, %get3A_246] : memref<1x1x1024xi32, #tpu.memory_space<smem>>
      %get3A_248 = arith.constant 0 : index
      %get3A_249 = arith.constant 0 : index
      %get3A_250 = arith.index_cast %scan3A_243 : i32 to index
      %get3A_251 = memref.load %arg2[%get3A_248, %get3A_249, %get3A_250] : memref<1x1x1024xi32, #tpu.memory_space<smem>>
      %get3A_252 = arith.index_cast %get3A_251 : i32 to index
      %get3A_253 = arith.constant 0 : index
      %get3A_254 = vector.load %arg4[%get3A_252, %get3A_253] : memref<10240x256xf32, #tpu.memory_space<vmem>>, vector<1x256xf32>
      %get3A_255 = arith.index_cast %get3A_247 : i32 to index
      %get3A_256 = arith.constant 0 : index
      %get3A_257 = vector.load %arg3[%get3A_255, %get3A_256] : memref<10000x256xf32, #tpu.memory_space<vmem>>, vector<1x256xf32>
      %add3A_258 = arith.addf %get3A_254, %get3A_257 : vector<1x256xf32>
      %swap3A_259 = arith.index_cast %get3A_251 : i32 to index
      %swap3A_260 = arith.constant 0 : index
      %swap3A_261 = vector.load %arg4[%swap3A_259, %swap3A_260] : memref<10240x256xf32, #tpu.memory_space<vmem>>, vector<1x256xf32>
      tpu.vector_store %arg4[%swap3A_259, %swap3A_260], %add3A_258 {strides = array<i32>} : memref<10240x256xf32, #tpu.memory_space<vmem>>, vector<1x256xf32>,
      %scan3A_262 = arith.constant 13 : i32
      %scan3A_263 = arith.addi %scan3A_6, %scan3A_262 : i32
      %get3A_264 = arith.constant 0 : index
      %get3A_265 = arith.constant 0 : index
      %get3A_266 = arith.index_cast %scan3A_263 : i32 to index
      %get3A_267 = memref.load %arg1[%get3A_264, %get3A_265, %get3A_266] : memref<1x1x1024xi32, #tpu.memory_space<smem>>
      %get3A_268 = arith.constant 0 : index
      %get3A_269 = arith.constant 0 : index
      %get3A_270 = arith.index_cast %scan3A_263 : i32 to index
      %get3A_271 = memref.load %arg2[%get3A_268, %get3A_269, %get3A_270] : memref<1x1x1024xi32, #tpu.memory_space<smem>>
      %get3A_272 = arith.index_cast %get3A_271 : i32 to index
      %get3A_273 = arith.constant 0 : index
      %get3A_274 = vector.load %arg4[%get3A_272, %get3A_273] : memref<10240x256xf32, #tpu.memory_space<vmem>>, vector<1x256xf32>
      %get3A_275 = arith.index_cast %get3A_267 : i32 to index
      %get3A_276 = arith.constant 0 : index
      %get3A_277 = vector.load %arg3[%get3A_275, %get3A_276] : memref<10000x256xf32, #tpu.memory_space<vmem>>, vector<1x256xf32>
      %add3A_278 = arith.addf %get3A_274, %get3A_277 : vector<1x256xf32>
      %swap3A_279 = arith.index_cast %get3A_271 : i32 to index
      %swap3A_280 = arith.constant 0 : index
      %swap3A_281 = vector.load %arg4[%swap3A_279, %swap3A_280] : memref<10240x256xf32, #tpu.memory_space<vmem>>, vector<1x256xf32>
      tpu.vector_store %arg4[%swap3A_279, %swap3A_280], %add3A_278 {strides = array<i32>} : memref<10240x256xf32, #tpu.memory_space<vmem>>, vector<1x256xf32>,
      %scan3A_282 = arith.constant 14 : i32
      %scan3A_283 = arith.addi %scan3A_6, %scan3A_282 : i32
      %get3A_284 = arith.constant 0 : index
      %get3A_285 = arith.constant 0 : index
      %get3A_286 = arith.index_cast %scan3A_283 : i32 to index
      %get3A_287 = memref.load %arg1[%get3A_284, %get3A_285, %get3A_286] : memref<1x1x1024xi32, #tpu.memory_space<smem>>
      %get3A_288 = arith.constant 0 : index
      %get3A_289 = arith.constant 0 : index
      %get3A_290 = arith.index_cast %scan3A_283 : i32 to index
      %get3A_291 = memref.load %arg2[%get3A_288, %get3A_289, %get3A_290] : memref<1x1x1024xi32, #tpu.memory_space<smem>>
      %get3A_292 = arith.index_cast %get3A_291 : i32 to index
      %get3A_293 = arith.constant 0 : index
      %get3A_294 = vector.load %arg4[%get3A_292, %get3A_293] : memref<10240x256xf32, #tpu.memory_space<vmem>>, vector<1x256xf32>
      %get3A_295 = arith.index_cast %get3A_287 : i32 to index
      %get3A_296 = arith.constant 0 : index
      %get3A_297 = vector.load %arg3[%get3A_295, %get3A_296] : memref<10000x256xf32, #tpu.memory_space<vmem>>, vector<1x256xf32>
      %add3A_298 = arith.addf %get3A_294, %get3A_297 : vector<1x256xf32>
      %swap3A_299 = arith.index_cast %get3A_291 : i32 to index
      %swap3A_300 = arith.constant 0 : index
      %swap3A_301 = vector.load %arg4[%swap3A_299, %swap3A_300] : memref<10240x256xf32, #tpu.memory_space<vmem>>, vector<1x256xf32>
      tpu.vector_store %arg4[%swap3A_299, %swap3A_300], %add3A_298 {strides = array<i32>} : memref<10240x256xf32, #tpu.memory_space<vmem>>, vector<1x256xf32>,
      %scan3A_302 = arith.constant 15 : i32
      %scan3A_303 = arith.addi %scan3A_6, %scan3A_302 : i32
      %get3A_304 = arith.constant 0 : index
      %get3A_305 = arith.constant 0 : index
      %get3A_306 = arith.index_cast %scan3A_303 : i32 to index
      %get3A_307 = memref.load %arg1[%get3A_304, %get3A_305, %get3A_306] : memref<1x1x1024xi32, #tpu.memory_space<smem>>
      %get3A_308 = arith.constant 0 : index
      %get3A_309 = arith.constant 0 : index
      %get3A_310 = arith.index_cast %scan3A_303 : i32 to index
      %get3A_311 = memref.load %arg2[%get3A_308, %get3A_309, %get3A_310] : memref<1x1x1024xi32, #tpu.memory_space<smem>>
      %get3A_312 = arith.index_cast %get3A_311 : i32 to index
      %get3A_313 = arith.constant 0 : index
      %get3A_314 = vector.load %arg4[%get3A_312, %get3A_313] : memref<10240x256xf32, #tpu.memory_space<vmem>>, vector<1x256xf32>
      %get3A_315 = arith.index_cast %get3A_307 : i32 to index
      %get3A_316 = arith.constant 0 : index
      %get3A_317 = vector.load %arg3[%get3A_315, %get3A_316] : memref<10000x256xf32, #tpu.memory_space<vmem>>, vector<1x256xf32>
      %add3A_318 = arith.addf %get3A_314, %get3A_317 : vector<1x256xf32>
      %swap3A_319 = arith.index_cast %get3A_311 : i32 to index
      %swap3A_320 = arith.constant 0 : index
      %swap3A_321 = vector.load %arg4[%swap3A_319, %swap3A_320] : memref<10240x256xf32, #tpu.memory_space<vmem>>, vector<1x256xf32>
      tpu.vector_store %arg4[%swap3A_319, %swap3A_320], %add3A_318 {strides = array<i32>} : memref<10240x256xf32, #tpu.memory_space<vmem>>, vector<1x256xf32>,
    }
    %scan3A_5 = arith.constant 1024 : i32
    return
  }
  func.func @transform_0(%arg0: i32) -> (i32, i32, i32) {
    %c0_i32 = arith.constant 0 : i32
    %c0_i32_0 = arith.constant 0 : i32
    %c0_i32_1 = arith.constant 0 : i32
    return %arg0, %c0_i32, %c0_i32_0 : i32, i32, i32
  }
  func.func @transform_1(%arg0: i32) -> (i32, i32, i32) {
    %c0_i32 = arith.constant 0 : i32
    %c0_i32_0 = arith.constant 0 : i32
    %c0_i32_1 = arith.constant 0 : i32
    return %arg0, %c0_i32, %c0_i32_0 : i32, i32, i32
  }
  func.func @transform_2(%arg0: i32) -> (i32, i32) {
    %c0_i32 = arith.constant 0 : i32
    %c0_i32_0 = arith.constant 0 : i32
    %c0_i32_1 = arith.constant 0 : i32
    return %c0_i32, %c0_i32_0 : i32, i32
  }
  func.func @transform_3(%arg0: i32) -> (i32, i32) {
    %c0_i32 = arith.constant 0 : i32
    %c0_i32_0 = arith.constant 0 : i32
    %c0_i32_1 = arith.constant 0 : i32
    return %c0_i32, %c0_i32_0 : i32, i32
  }
}

module attributes {stable_mosaic.version = 14 : i64} {
  func.func @_gi_kernel(%arg0: i32, %arg1: memref<1000x256xf32, #tpu.memory_space<vmem>>, %arg2: memref<1000x256xf32, #tpu.memory_space<vmem>>, %arg3: memref<1000x1xf32, #tpu.memory_space<vmem>>, %arg4: memref<1x256xf32, #tpu.memory_space<vmem>>, %arg5: memref<256x768xf32, #tpu.memory_space<vmem>>, %arg6: memref<1x768xf32, #tpu.memory_space<vmem>>, %arg7: memref<1000x768xf32, #tpu.memory_space<vmem>>) attributes {dimension_semantics = [#tpu.dimension_semantics<arbitrary>], iteration_bounds = array<i64: 10>, scalar_prefetch = 0 : i64, scratch_operands = 0 : i64, tpu.core_type = #tpu.core_type<tc>, window_params = [{transform_indices = @transform_0, window_bounds = array<i64: 1000, 256>}, {transform_indices = @transform_1, window_bounds = array<i64: 1000, 256>}, {transform_indices = @transform_2, window_bounds = array<i64: 1000, 1>}, {pipeline_mode = #tpu.pipeline_mode<synchronous>, transform_indices = @transform_3, window_bounds = array<i64: 1, 256>}, {pipeline_mode = #tpu.pipeline_mode<synchronous>, transform_indices = @transform_4, window_bounds = array<i64: 256, 768>}, {pipeline_mode = #tpu.pipeline_mode<synchronous>, transform_indices = @transform_5, window_bounds = array<i64: 1, 768>}, {transform_indices = @transform_6, window_bounds = array<i64: 1000, 768>}]} {
    %get3A = arith.constant 0 : index
    %get3A_0 = arith.constant 0 : index
    %get3A_1 = vector.load %arg3[%get3A, %get3A_0] : memref<1000x1xf32, #tpu.memory_space<vmem>>, vector<1000x1xf32>
    %get3A_2 = arith.constant 0 : index
    %get3A_3 = arith.constant 0 : index
    %get3A_4 = vector.load %arg1[%get3A_2, %get3A_3] : memref<1000x256xf32, #tpu.memory_space<vmem>>, vector<1000x256xf32>
    %get3A_5 = arith.constant 0 : index
    %get3A_6 = arith.constant 0 : index
    %get3A_7 = vector.load %arg2[%get3A_5, %get3A_6] : memref<1000x256xf32, #tpu.memory_space<vmem>>, vector<1000x256xf32>
    %add3A = arith.addf %get3A_4, %get3A_7 : vector<1000x256xf32>
    %mul3A = vector.broadcast %get3A_1 : vector<1000x1xf32> to vector<1000x256xf32>
    %mul3A_8 = arith.mulf %mul3A, %add3A : vector<1000x256xf32>
    %get3A_9 = arith.constant 0 : index
    %get3A_10 = arith.constant 0 : index
    %get3A_11 = vector.load %arg4[%get3A_9, %get3A_10] : memref<1x256xf32, #tpu.memory_space<vmem>>, vector<1x256xf32>
    %add3A_12 = vector.broadcast %get3A_11 : vector<1x256xf32> to vector<1000x256xf32>
    %add3A_13 = arith.addf %mul3A_8, %add3A_12 : vector<1000x256xf32>
    %get3A_14 = arith.constant 0 : index
    %get3A_15 = arith.constant 0 : index
    %get3A_16 = vector.load %arg5[%get3A_14, %get3A_15] : memref<256x768xf32, #tpu.memory_space<vmem>>, vector<256x768xf32>
    %dot_general3A = arith.constant dense<0.000000e+00> : vector<1000x768xf32>
    %dot_general3A_17 = tpu.matmul %add3A_13, %get3A_16, %dot_general3A {dimension_numbers = #tpu.dot_dimension_numbers<[1], [0], [0], [1], [0, 0, 1, 1], [], []>, precision = #tpu.contract_precision<fp32>, transpose_lhs_hint = false} : vector<1000x256xf32>, vector<256x768xf32>, vector<1000x768xf32> -> vector<1000x768xf32>
    %get3A_18 = arith.constant 0 : index
    %get3A_19 = arith.constant 0 : index
    %get3A_20 = vector.load %arg6[%get3A_18, %get3A_19] : memref<1x768xf32, #tpu.memory_space<vmem>>, vector<1x768xf32>
    %add3A_21 = vector.broadcast %get3A_20 : vector<1x768xf32> to vector<1000x768xf32>
    %add3A_22 = arith.addf %dot_general3A_17, %add3A_21 : vector<1000x768xf32>
    %swap3A = arith.constant 0 : index
    %swap3A_23 = arith.constant 0 : index
    %swap3A_24 = vector.load %arg7[%swap3A, %swap3A_23] : memref<1000x768xf32, #tpu.memory_space<vmem>>, vector<1000x768xf32>
    tpu.vector_store %arg7[%swap3A, %swap3A_23], %add3A_22 {strides = array<i32>} : memref<1000x768xf32, #tpu.memory_space<vmem>>, vector<1000x768xf32>,
    return
  }
  func.func @transform_0(%arg0: i32) -> (i32, i32) {
    %c0_i32 = arith.constant 0 : i32
    %c0_i32_0 = arith.constant 0 : i32
    return %arg0, %c0_i32 : i32, i32
  }
  func.func @transform_1(%arg0: i32) -> (i32, i32) {
    %c0_i32 = arith.constant 0 : i32
    %c0_i32_0 = arith.constant 0 : i32
    return %arg0, %c0_i32 : i32, i32
  }
  func.func @transform_2(%arg0: i32) -> (i32, i32) {
    %c0_i32 = arith.constant 0 : i32
    %c0_i32_0 = arith.constant 0 : i32
    return %arg0, %c0_i32 : i32, i32
  }
  func.func @transform_3(%arg0: i32) -> (i32, i32) {
    %c0_i32 = arith.constant 0 : i32
    %c0_i32_0 = arith.constant 0 : i32
    %c0_i32_1 = arith.constant 0 : i32
    return %c0_i32, %c0_i32_0 : i32, i32
  }
  func.func @transform_4(%arg0: i32) -> (i32, i32) {
    %c0_i32 = arith.constant 0 : i32
    %c0_i32_0 = arith.constant 0 : i32
    %c0_i32_1 = arith.constant 0 : i32
    return %c0_i32, %c0_i32_0 : i32, i32
  }
  func.func @transform_5(%arg0: i32) -> (i32, i32) {
    %c0_i32 = arith.constant 0 : i32
    %c0_i32_0 = arith.constant 0 : i32
    %c0_i32_1 = arith.constant 0 : i32
    return %c0_i32, %c0_i32_0 : i32, i32
  }
  func.func @transform_6(%arg0: i32) -> (i32, i32) {
    %c0_i32 = arith.constant 0 : i32
    %c0_i32_0 = arith.constant 0 : i32
    return %arg0, %c0_i32 : i32, i32
  }
}

module attributes {stable_mosaic.version = 14 : i64} {
  func.func @_gru_kernel(%arg0: i32, %arg1: memref<1x256xf32, #tpu.memory_space<vmem>>, %arg2: memref<1000x768xf32, #tpu.memory_space<vmem>>, %arg3: memref<256x768xbf16, #tpu.memory_space<vmem>>, %arg4: memref<1x256xf32, #tpu.memory_space<vmem>>, %arg5: memref<1000x256xf32, #tpu.memory_space<vmem>>, %arg6: memref<1x256xf32, #tpu.memory_space<vmem>>) attributes {dimension_semantics = [#tpu.dimension_semantics<arbitrary>], iteration_bounds = array<i64: 10>, scalar_prefetch = 0 : i64, scratch_operands = 1 : i64, tpu.core_type = #tpu.core_type<tc>, window_params = [{pipeline_mode = #tpu.pipeline_mode<synchronous>, transform_indices = @transform_0, window_bounds = array<i64: 1, 256>}, {transform_indices = @transform_1, window_bounds = array<i64: 1000, 768>}, {pipeline_mode = #tpu.pipeline_mode<synchronous>, transform_indices = @transform_2, window_bounds = array<i64: 256, 768>}, {pipeline_mode = #tpu.pipeline_mode<synchronous>, transform_indices = @transform_3, window_bounds = array<i64: 1, 256>}, {transform_indices = @transform_4, window_bounds = array<i64: 1000, 256>}]} {
    %eq3A = arith.constant 0 : i32
    %eq3A_0 = arith.cmpi eq, %arg0, %eq3A : i32
    %convert_element_type3A = arith.extui %eq3A_0 : i1 to i32
    %cond3A = arith.constant 0 : i32
    %cond3A_1 = arith.cmpi ne, %convert_element_type3A, %cond3A : i32
    scf.if %cond3A_1 {
      %get3A_11 = arith.constant 0 : index
      %get3A_12 = arith.constant 0 : index
      %get3A_13 = vector.load %arg1[%get3A_11, %get3A_12] : memref<1x256xf32, #tpu.memory_space<vmem>>, vector<1x256xf32>
      %swap3A_14 = arith.constant 0 : index
      %swap3A_15 = arith.constant 0 : index
      %swap3A_16 = vector.load %arg6[%swap3A_14, %swap3A_15] : memref<1x256xf32, #tpu.memory_space<vmem>>, vector<1x256xf32>
      tpu.vector_store %arg6[%swap3A_14, %swap3A_15], %get3A_13 {strides = array<i32>} : memref<1x256xf32, #tpu.memory_space<vmem>>, vector<1x256xf32>,
    } else {
    }
    %get3A = arith.constant 0 : index
    %get3A_2 = arith.constant 0 : index
    %get3A_3 = vector.load %arg6[%get3A, %get3A_2] : memref<1x256xf32, #tpu.memory_space<vmem>>, vector<1x256xf32>
    %scan3A = arith.constant 0 : i32
    %scan3A_4 = arith.constant 1000 : i32
    %scan3A_5 = arith.addi %scan3A, %scan3A_4 : i32
    %scan3A_6 = arith.constant 4 : i32
    %scan3A_7 = scf.for %scan3A_11 = %scan3A to %scan3A_5 step %scan3A_6 iter_args(%scan3A_12 = %get3A_3) -> (vector<1x256xf32>)  : i32 {
      %get3A_13 = arith.index_cast %scan3A_11 : i32 to index
      %get3A_14 = arith.constant 0 : index
      %get3A_15 = vector.load %arg2[%get3A_13, %get3A_14] : memref<1000x768xf32, #tpu.memory_space<vmem>>, vector<1x768xf32>
      %convert_element_type3A_16 = arith.truncf %scan3A_12 : vector<1x256xf32> to vector<1x256xbf16>
      %get3A_17 = arith.constant 0 : index
      %get3A_18 = arith.constant 0 : index
      %get3A_19 = vector.load %arg3[%get3A_17, %get3A_18] : memref<256x768xbf16, #tpu.memory_space<vmem>>, vector<256x768xbf16>
      %dot_general3A = arith.constant dense<0.000000e+00> : vector<1x768xf32>
      %dot_general3A_20 = tpu.matmul %convert_element_type3A_16, %get3A_19, %dot_general3A {dimension_numbers = #tpu.dot_dimension_numbers<[1], [0], [0], [1], [0, 0, 1, 1], [], []>, transpose_lhs_hint = false} : vector<1x256xbf16>, vector<256x768xbf16>, vector<1x768xf32> -> vector<1x768xf32>
      %slice3A = vector.extract_strided_slice %get3A_15 {offsets = [0, 0], sizes = [1, 512], strides = [1, 1]} : vector<1x768xf32> to vector<1x512xf32>
      %slice3A_21 = vector.extract_strided_slice %dot_general3A_20 {offsets = [0, 0], sizes = [1, 512], strides = [1, 1]} : vector<1x768xf32> to vector<1x512xf32>
      %add3A = arith.addf %slice3A, %slice3A_21 : vector<1x512xf32>
      %logistic3A = arith.negf %add3A : vector<1x512xf32>
      %logistic3A_22 = math.exp %logistic3A : vector<1x512xf32>
      %logistic3A_23 = arith.constant 1.000000e+00 : f32
      %logistic3A_24 = vector.broadcast %logistic3A_23 : f32 to vector<1x512xf32>
      %logistic3A_25 = arith.addf %logistic3A_24, %logistic3A_22 : vector<1x512xf32>
      %logistic3A_26 = arith.divf %logistic3A_24, %logistic3A_25 : vector<1x512xf32>
      %slice3A_27 = vector.extract_strided_slice %logistic3A_26 {offsets = [0, 0], sizes = [1, 256], strides = [1, 1]} : vector<1x512xf32> to vector<1x256xf32>
      %slice3A_28 = vector.extract_strided_slice %logistic3A_26 {offsets = [0, 256], sizes = [1, 256], strides = [1, 1]} : vector<1x512xf32> to vector<1x256xf32>
      %slice3A_29 = vector.extract_strided_slice %get3A_15 {offsets = [0, 512], sizes = [1, 256], strides = [1, 1]} : vector<1x768xf32> to vector<1x256xf32>
      %slice3A_30 = vector.extract_strided_slice %dot_general3A_20 {offsets = [0, 512], sizes = [1, 256], strides = [1, 1]} : vector<1x768xf32> to vector<1x256xf32>
      %get3A_31 = arith.constant 0 : index
      %get3A_32 = arith.constant 0 : index
      %get3A_33 = vector.load %arg4[%get3A_31, %get3A_32] : memref<1x256xf32, #tpu.memory_space<vmem>>, vector<1x256xf32>
      %add3A_34 = arith.addf %slice3A_30, %get3A_33 : vector<1x256xf32>
      %mul3A = arith.mulf %slice3A_27, %add3A_34 : vector<1x256xf32>
      %add3A_35 = arith.addf %slice3A_29, %mul3A : vector<1x256xf32>
      %tanh3A = math.tanh %add3A_35 : vector<1x256xf32>
      %sub3A = arith.subf %scan3A_12, %tanh3A : vector<1x256xf32>
      %mul3A_36 = arith.mulf %slice3A_28, %sub3A : vector<1x256xf32>
      %add3A_37 = arith.addf %mul3A_36, %tanh3A : vector<1x256xf32>
      %swap3A_38 = arith.index_cast %scan3A_11 : i32 to index
      %swap3A_39 = arith.constant 0 : index
      %swap3A_40 = vector.load %arg5[%swap3A_38, %swap3A_39] : memref<1000x256xf32, #tpu.memory_space<vmem>>, vector<1x256xf32>
      tpu.vector_store %arg5[%swap3A_38, %swap3A_39], %add3A_37 {strides = array<i32>} : memref<1000x256xf32, #tpu.memory_space<vmem>>, vector<1x256xf32>,
      %scan3A_41 = arith.constant 1 : i32
      %scan3A_42 = arith.addi %scan3A_11, %scan3A_41 : i32
      %get3A_43 = arith.index_cast %scan3A_42 : i32 to index
      %get3A_44 = arith.constant 0 : index
      %get3A_45 = vector.load %arg2[%get3A_43, %get3A_44] : memref<1000x768xf32, #tpu.memory_space<vmem>>, vector<1x768xf32>
      %convert_element_type3A_46 = arith.truncf %add3A_37 : vector<1x256xf32> to vector<1x256xbf16>
      %get3A_47 = arith.constant 0 : index
      %get3A_48 = arith.constant 0 : index
      %get3A_49 = vector.load %arg3[%get3A_47, %get3A_48] : memref<256x768xbf16, #tpu.memory_space<vmem>>, vector<256x768xbf16>
      %dot_general3A_50 = arith.constant dense<0.000000e+00> : vector<1x768xf32>
      %dot_general3A_51 = tpu.matmul %convert_element_type3A_46, %get3A_49, %dot_general3A_50 {dimension_numbers = #tpu.dot_dimension_numbers<[1], [0], [0], [1], [0, 0, 1, 1], [], []>, transpose_lhs_hint = false} : vector<1x256xbf16>, vector<256x768xbf16>, vector<1x768xf32> -> vector<1x768xf32>
      %slice3A_52 = vector.extract_strided_slice %get3A_45 {offsets = [0, 0], sizes = [1, 512], strides = [1, 1]} : vector<1x768xf32> to vector<1x512xf32>
      %slice3A_53 = vector.extract_strided_slice %dot_general3A_51 {offsets = [0, 0], sizes = [1, 512], strides = [1, 1]} : vector<1x768xf32> to vector<1x512xf32>
      %add3A_54 = arith.addf %slice3A_52, %slice3A_53 : vector<1x512xf32>
      %logistic3A_55 = arith.negf %add3A_54 : vector<1x512xf32>
      %logistic3A_56 = math.exp %logistic3A_55 : vector<1x512xf32>
      %logistic3A_57 = arith.constant 1.000000e+00 : f32
      %logistic3A_58 = vector.broadcast %logistic3A_57 : f32 to vector<1x512xf32>
      %logistic3A_59 = arith.addf %logistic3A_58, %logistic3A_56 : vector<1x512xf32>
      %logistic3A_60 = arith.divf %logistic3A_58, %logistic3A_59 : vector<1x512xf32>
      %slice3A_61 = vector.extract_strided_slice %logistic3A_60 {offsets = [0, 0], sizes = [1, 256], strides = [1, 1]} : vector<1x512xf32> to vector<1x256xf32>
      %slice3A_62 = vector.extract_strided_slice %logistic3A_60 {offsets = [0, 256], sizes = [1, 256], strides = [1, 1]} : vector<1x512xf32> to vector<1x256xf32>
      %slice3A_63 = vector.extract_strided_slice %get3A_45 {offsets = [0, 512], sizes = [1, 256], strides = [1, 1]} : vector<1x768xf32> to vector<1x256xf32>
      %slice3A_64 = vector.extract_strided_slice %dot_general3A_51 {offsets = [0, 512], sizes = [1, 256], strides = [1, 1]} : vector<1x768xf32> to vector<1x256xf32>
      %get3A_65 = arith.constant 0 : index
      %get3A_66 = arith.constant 0 : index
      %get3A_67 = vector.load %arg4[%get3A_65, %get3A_66] : memref<1x256xf32, #tpu.memory_space<vmem>>, vector<1x256xf32>
      %add3A_68 = arith.addf %slice3A_64, %get3A_67 : vector<1x256xf32>
      %mul3A_69 = arith.mulf %slice3A_61, %add3A_68 : vector<1x256xf32>
      %add3A_70 = arith.addf %slice3A_63, %mul3A_69 : vector<1x256xf32>
      %tanh3A_71 = math.tanh %add3A_70 : vector<1x256xf32>
      %sub3A_72 = arith.subf %add3A_37, %tanh3A_71 : vector<1x256xf32>
      %mul3A_73 = arith.mulf %slice3A_62, %sub3A_72 : vector<1x256xf32>
      %add3A_74 = arith.addf %mul3A_73, %tanh3A_71 : vector<1x256xf32>
      %swap3A_75 = arith.index_cast %scan3A_42 : i32 to index
      %swap3A_76 = arith.constant 0 : index
      %swap3A_77 = vector.load %arg5[%swap3A_75, %swap3A_76] : memref<1000x256xf32, #tpu.memory_space<vmem>>, vector<1x256xf32>
      tpu.vector_store %arg5[%swap3A_75, %swap3A_76], %add3A_74 {strides = array<i32>} : memref<1000x256xf32, #tpu.memory_space<vmem>>, vector<1x256xf32>,
      %scan3A_78 = arith.constant 2 : i32
      %scan3A_79 = arith.addi %scan3A_11, %scan3A_78 : i32
      %get3A_80 = arith.index_cast %scan3A_79 : i32 to index
      %get3A_81 = arith.constant 0 : index
      %get3A_82 = vector.load %arg2[%get3A_80, %get3A_81] : memref<1000x768xf32, #tpu.memory_space<vmem>>, vector<1x768xf32>
      %convert_element_type3A_83 = arith.truncf %add3A_74 : vector<1x256xf32> to vector<1x256xbf16>
      %get3A_84 = arith.constant 0 : index
      %get3A_85 = arith.constant 0 : index
      %get3A_86 = vector.load %arg3[%get3A_84, %get3A_85] : memref<256x768xbf16, #tpu.memory_space<vmem>>, vector<256x768xbf16>
      %dot_general3A_87 = arith.constant dense<0.000000e+00> : vector<1x768xf32>
      %dot_general3A_88 = tpu.matmul %convert_element_type3A_83, %get3A_86, %dot_general3A_87 {dimension_numbers = #tpu.dot_dimension_numbers<[1], [0], [0], [1], [0, 0, 1, 1], [], []>, transpose_lhs_hint = false} : vector<1x256xbf16>, vector<256x768xbf16>, vector<1x768xf32> -> vector<1x768xf32>
      %slice3A_89 = vector.extract_strided_slice %get3A_82 {offsets = [0, 0], sizes = [1, 512], strides = [1, 1]} : vector<1x768xf32> to vector<1x512xf32>
      %slice3A_90 = vector.extract_strided_slice %dot_general3A_88 {offsets = [0, 0], sizes = [1, 512], strides = [1, 1]} : vector<1x768xf32> to vector<1x512xf32>
      %add3A_91 = arith.addf %slice3A_89, %slice3A_90 : vector<1x512xf32>
      %logistic3A_92 = arith.negf %add3A_91 : vector<1x512xf32>
      %logistic3A_93 = math.exp %logistic3A_92 : vector<1x512xf32>
      %logistic3A_94 = arith.constant 1.000000e+00 : f32
      %logistic3A_95 = vector.broadcast %logistic3A_94 : f32 to vector<1x512xf32>
      %logistic3A_96 = arith.addf %logistic3A_95, %logistic3A_93 : vector<1x512xf32>
      %logistic3A_97 = arith.divf %logistic3A_95, %logistic3A_96 : vector<1x512xf32>
      %slice3A_98 = vector.extract_strided_slice %logistic3A_97 {offsets = [0, 0], sizes = [1, 256], strides = [1, 1]} : vector<1x512xf32> to vector<1x256xf32>
      %slice3A_99 = vector.extract_strided_slice %logistic3A_97 {offsets = [0, 256], sizes = [1, 256], strides = [1, 1]} : vector<1x512xf32> to vector<1x256xf32>
      %slice3A_100 = vector.extract_strided_slice %get3A_82 {offsets = [0, 512], sizes = [1, 256], strides = [1, 1]} : vector<1x768xf32> to vector<1x256xf32>
      %slice3A_101 = vector.extract_strided_slice %dot_general3A_88 {offsets = [0, 512], sizes = [1, 256], strides = [1, 1]} : vector<1x768xf32> to vector<1x256xf32>
      %get3A_102 = arith.constant 0 : index
      %get3A_103 = arith.constant 0 : index
      %get3A_104 = vector.load %arg4[%get3A_102, %get3A_103] : memref<1x256xf32, #tpu.memory_space<vmem>>, vector<1x256xf32>
      %add3A_105 = arith.addf %slice3A_101, %get3A_104 : vector<1x256xf32>
      %mul3A_106 = arith.mulf %slice3A_98, %add3A_105 : vector<1x256xf32>
      %add3A_107 = arith.addf %slice3A_100, %mul3A_106 : vector<1x256xf32>
      %tanh3A_108 = math.tanh %add3A_107 : vector<1x256xf32>
      %sub3A_109 = arith.subf %add3A_74, %tanh3A_108 : vector<1x256xf32>
      %mul3A_110 = arith.mulf %slice3A_99, %sub3A_109 : vector<1x256xf32>
      %add3A_111 = arith.addf %mul3A_110, %tanh3A_108 : vector<1x256xf32>
      %swap3A_112 = arith.index_cast %scan3A_79 : i32 to index
      %swap3A_113 = arith.constant 0 : index
      %swap3A_114 = vector.load %arg5[%swap3A_112, %swap3A_113] : memref<1000x256xf32, #tpu.memory_space<vmem>>, vector<1x256xf32>
      tpu.vector_store %arg5[%swap3A_112, %swap3A_113], %add3A_111 {strides = array<i32>} : memref<1000x256xf32, #tpu.memory_space<vmem>>, vector<1x256xf32>,
      %scan3A_115 = arith.constant 3 : i32
      %scan3A_116 = arith.addi %scan3A_11, %scan3A_115 : i32
      %get3A_117 = arith.index_cast %scan3A_116 : i32 to index
      %get3A_118 = arith.constant 0 : index
      %get3A_119 = vector.load %arg2[%get3A_117, %get3A_118] : memref<1000x768xf32, #tpu.memory_space<vmem>>, vector<1x768xf32>
      %convert_element_type3A_120 = arith.truncf %add3A_111 : vector<1x256xf32> to vector<1x256xbf16>
      %get3A_121 = arith.constant 0 : index
      %get3A_122 = arith.constant 0 : index
      %get3A_123 = vector.load %arg3[%get3A_121, %get3A_122] : memref<256x768xbf16, #tpu.memory_space<vmem>>, vector<256x768xbf16>
      %dot_general3A_124 = arith.constant dense<0.000000e+00> : vector<1x768xf32>
      %dot_general3A_125 = tpu.matmul %convert_element_type3A_120, %get3A_123, %dot_general3A_124 {dimension_numbers = #tpu.dot_dimension_numbers<[1], [0], [0], [1], [0, 0, 1, 1], [], []>, transpose_lhs_hint = false} : vector<1x256xbf16>, vector<256x768xbf16>, vector<1x768xf32> -> vector<1x768xf32>
      %slice3A_126 = vector.extract_strided_slice %get3A_119 {offsets = [0, 0], sizes = [1, 512], strides = [1, 1]} : vector<1x768xf32> to vector<1x512xf32>
      %slice3A_127 = vector.extract_strided_slice %dot_general3A_125 {offsets = [0, 0], sizes = [1, 512], strides = [1, 1]} : vector<1x768xf32> to vector<1x512xf32>
      %add3A_128 = arith.addf %slice3A_126, %slice3A_127 : vector<1x512xf32>
      %logistic3A_129 = arith.negf %add3A_128 : vector<1x512xf32>
      %logistic3A_130 = math.exp %logistic3A_129 : vector<1x512xf32>
      %logistic3A_131 = arith.constant 1.000000e+00 : f32
      %logistic3A_132 = vector.broadcast %logistic3A_131 : f32 to vector<1x512xf32>
      %logistic3A_133 = arith.addf %logistic3A_132, %logistic3A_130 : vector<1x512xf32>
      %logistic3A_134 = arith.divf %logistic3A_132, %logistic3A_133 : vector<1x512xf32>
      %slice3A_135 = vector.extract_strided_slice %logistic3A_134 {offsets = [0, 0], sizes = [1, 256], strides = [1, 1]} : vector<1x512xf32> to vector<1x256xf32>
      %slice3A_136 = vector.extract_strided_slice %logistic3A_134 {offsets = [0, 256], sizes = [1, 256], strides = [1, 1]} : vector<1x512xf32> to vector<1x256xf32>
      %slice3A_137 = vector.extract_strided_slice %get3A_119 {offsets = [0, 512], sizes = [1, 256], strides = [1, 1]} : vector<1x768xf32> to vector<1x256xf32>
      %slice3A_138 = vector.extract_strided_slice %dot_general3A_125 {offsets = [0, 512], sizes = [1, 256], strides = [1, 1]} : vector<1x768xf32> to vector<1x256xf32>
      %get3A_139 = arith.constant 0 : index
      %get3A_140 = arith.constant 0 : index
      %get3A_141 = vector.load %arg4[%get3A_139, %get3A_140] : memref<1x256xf32, #tpu.memory_space<vmem>>, vector<1x256xf32>
      %add3A_142 = arith.addf %slice3A_138, %get3A_141 : vector<1x256xf32>
      %mul3A_143 = arith.mulf %slice3A_135, %add3A_142 : vector<1x256xf32>
      %add3A_144 = arith.addf %slice3A_137, %mul3A_143 : vector<1x256xf32>
      %tanh3A_145 = math.tanh %add3A_144 : vector<1x256xf32>
      %sub3A_146 = arith.subf %add3A_111, %tanh3A_145 : vector<1x256xf32>
      %mul3A_147 = arith.mulf %slice3A_136, %sub3A_146 : vector<1x256xf32>
      %add3A_148 = arith.addf %mul3A_147, %tanh3A_145 : vector<1x256xf32>
      %swap3A_149 = arith.index_cast %scan3A_116 : i32 to index
      %swap3A_150 = arith.constant 0 : index
      %swap3A_151 = vector.load %arg5[%swap3A_149, %swap3A_150] : memref<1000x256xf32, #tpu.memory_space<vmem>>, vector<1x256xf32>
      tpu.vector_store %arg5[%swap3A_149, %swap3A_150], %add3A_148 {strides = array<i32>} : memref<1000x256xf32, #tpu.memory_space<vmem>>, vector<1x256xf32>,
      scf.yield %add3A_148 : vector<1x256xf32>
    }
    %scan3A_8 = arith.constant 1000 : i32
    %swap3A = arith.constant 0 : index
    %swap3A_9 = arith.constant 0 : index
    %swap3A_10 = vector.load %arg6[%swap3A, %swap3A_9] : memref<1x256xf32, #tpu.memory_space<vmem>>, vector<1x256xf32>
    tpu.vector_store %arg6[%swap3A, %swap3A_9], %scan3A_7 {strides = array<i32>} : memref<1x256xf32, #tpu.memory_space<vmem>>, vector<1x256xf32>,
    return
  }
  func.func @transform_0(%arg0: i32) -> (i32, i32) {
    %c0_i32 = arith.constant 0 : i32
    %c0_i32_0 = arith.constant 0 : i32
    %c0_i32_1 = arith.constant 0 : i32
    return %c0_i32, %c0_i32_0 : i32, i32
  }
  func.func @transform_1(%arg0: i32) -> (i32, i32) {
    %c0_i32 = arith.constant 0 : i32
    %c0_i32_0 = arith.constant 0 : i32
    return %arg0, %c0_i32 : i32, i32
  }
  func.func @transform_2(%arg0: i32) -> (i32, i32) {
    %c0_i32 = arith.constant 0 : i32
    %c0_i32_0 = arith.constant 0 : i32
    %c0_i32_1 = arith.constant 0 : i32
    return %c0_i32, %c0_i32_0 : i32, i32
  }
  func.func @transform_3(%arg0: i32) -> (i32, i32) {
    %c0_i32 = arith.constant 0 : i32
    %c0_i32_0 = arith.constant 0 : i32
    %c0_i32_1 = arith.constant 0 : i32
    return %c0_i32, %c0_i32_0 : i32, i32
  }
  func.func @transform_4(%arg0: i32) -> (i32, i32) {
    %c0_i32 = arith.constant 0 : i32
    %c0_i32_0 = arith.constant 0 : i32
    return %arg0, %c0_i32 : i32, i32
  }
}

</mosaic_0001>

<sc_bundles>
// kernel: kernel.7.cloned.1.call-start
scs
__scs_entry_jumppad:
0x0: {  	(pc) =	sbr.rel $0x88, $3  }
0x1: {  	(tag) =	ssettag $0x0;
	lr =	simm.s32 $0x1  }
0x2: {  	[smem:$0x3F98] =	sst lr;
	_ =	strace $0xD0000000  }
0x3: {  	_ = 	snop  }
0x4: {  	_ = 	snop  }
0x5: {  	_ = 	snop  }
0x6: {  	_ = 	snop  }
0x7: {  	_ = 	snop  }
__scs_overlays_trampoline_lowered:
0x8: {  	[smem:$0x3FA7] =	sst s0  }
0x9: {  	[smem:$0x3FA8] =	sst s1  }
0xa: {  	[smem:$0x3FA9] =	sst s2  }
0xb: {  	[smem:$0x3FAA] =	sst s3  }
0xc: {  	[smem:$0x3FAB] =	sst s4  }
0xd: {  	[smem:$0x3FAC] =	sst s5  }
0xe: {  	[smem:$0x3FAD] =	sst s6  }
0xf: {  	[smem:$0x3FAE] =	sst s7  }
0x10: {  	[smem:$0x3FAF] =	sst s8  }
0x11: {  	[smem:$0x3FB0] =	sst s9;
	s0 =	simm.s32 @!p0 $0x0  }
0x12: {  	s1 =	sld [smem:$0x3F96];
	s0 =	simm.s32 @p0 $0x1  }
0x13: {  	[smem:$0x3FB1] =	sst s0;
	s0 =	simm.s32 @!p1 $0x0  }
0x14: {  	s2 =	sld [smem:$0x3F95];
	s0 =	simm.s32 @p1 $0x1  }
0x15: {  	[smem:$0x3FB2] =	sst s0;
	s0 =	simm.s32 @!p2 $0x0  }
0x16: {  	s3 =	sld [smem:$0x3FDB];
	s0 =	simm.s32 @p2 $0x1  }
0x17: {  	s4 =	simm.s32 $0x1BF5;
	[smem:$0x3FB4] =	sst s0  }
0x18: {  	s0 =	sld [smem:$0x3F97];
	_ =	swait.ge [sflag:s4], $0x0  }
0x19: {  	s7 =	sld [smem:$0x3F98]  }
0x1a: {  	s8 =	sadd.s32 $0xFFFFE003, lr  }
0x1b: {  	s9 =	sadd.s32 $0xFFFFFEF7, lr;
	s5 =	simm.s32 $0xFFFFFFFF;
	p2 =	slt.u32 s8, $0xFFFFF086  }
0x1c: {  	p1 =	slt.u32 s9, $0xF7A;
	s5 =	simm.s32 @!p2 $0x0  }
0x1d: {  	s5 =	simm.s32 @p1 $0x1;
	p0 =	seq.s32 s7, s2  }
0x1e: {  	s7 =	smul.u32 @!p0 $0xF7A, s2;
	p2 =	seq.s32 @!p0 s5, $0x0  }
0x1f: {  	s9 =	smul.u32 $0xF7A, s1;
	s8 =	simm.s32 @!p0 $0x1BF5;
	p2 =	por !p2, p0  }
0x20: {  	[sflag:s8] =	ssyncset.s32 @!p0 $0xFFFFF086;
	s6 =	sadd.s32 @!p0 s3, s7;
	s7 =	simm.s32 @!p0 $0x108  }
0x21: {  	s3 =	sadd.s32 s3, s9;
	s6 =	sadd.s32 @!p0 $0x88, s6;
	s7 =	simm.s32 @p2 $0x1082  }
0x22: {  	[simem:s7], [sflag:s8] =	dma.local @!p0 [hbm:s6], $0xF7A  }
0x23: {  	s9 =	sor.u32 $0xD0000000, s2;
	s6 =	simm.s32 $0x108;
	_ =	swait.ge @!p0 [sflag:s8], $0x0  }
0x24: {  	s3 =	sadd.s32 $0x88, s3;
	s6 =	simm.s32 @!p1 $0x1082;
	[sflag:s4] =	ssyncset.s32 $0xFFFFF086  }
0x25: {  	[simem:s6], [sflag:s4] =	dma.local [hbm:s3], $0xF7A  }
0x26: {  	[smem:$0x3F98] =	sst s1;
	(tag) =	ssettag s2;
	_ =	strace s9  }
0x27: {  	s1 =	sld [smem:$0x3FA8]  }
0x28: {  	s2 =	sld [smem:$0x3FA9]  }
0x29: {  	s4 =	sld [smem:$0x3FAB]  }
0x2a: {  	p0 =	seq.s32 s5, $0x0;
	s5 =	sld [smem:$0x3FAC]  }
0x2b: {  	s6 =	sld [smem:$0x3FAD]  }
0x2c: {  	s7 =	sld [smem:$0x3FAE]  }
0x2d: {  	s3 =	simm.s32 $0x108;
	s8 =	sld [smem:$0x3FAF]  }
0x2e: {  	s3 =	simm.s32 @!p0 $0x1082;
	s9 =	sld [smem:$0x3FB0]  }
0x2f: {  	lr =	sadd.s32 s0, s3;
	s0 =	sld [smem:$0x3FA7]  }
0x30: {  	s3 =	sld [smem:$0x3FAA]  }
0x31: {  	[smem:$0x3FB3] =	sst s10  }
0x32: {  	s10 =	sld [smem:$0x3FB1];
	_ =	sdelay $0x3  }
0x33: {  	p0 =	seq.s32 s10, $0x1;
	s10 =	sld [smem:$0x3FB3];
	_ =	sdelay $0x3  }
0x34: {  	[smem:$0x3FB3] =	sst s10  }
0x35: {  	s10 =	sld [smem:$0x3FB2];
	_ =	sdelay $0x3  }
0x36: {  	p1 =	seq.s32 s10, $0x1;
	s10 =	sld [smem:$0x3FB3];
	_ =	sdelay $0x3  }
0x37: {  	[smem:$0x3FB3] =	sst s10  }
0x38: {  	s10 =	sld [smem:$0x3FB4]  }
0x39: {  	_ = 	snop;
	(pc) =	sbr.ind lr, $3  }
0x3a: {  	_ = 	snop  }
0x3b: {  	_ = 	snop  }
0x3c: {  	p2 =	seq.s32 s10, $0x1;
	s10 =	sld [smem:$0x3FB3]  }
0x3d: {  	_ =	shalt  }
0x3e: {  	_ =	shalt  }
0x3f: {  	_ =	shalt  }
0x40: {  	_ =	shalt  }
0x41: {  	_ =	shalt  }
0x42: {  	_ =	shalt  }
0x43: {  	_ =	shalt  }
0x44: {  	_ =	shalt  }
0x45: {  	_ =	shalt  }
0x46: {  	_ =	shalt  }
0x47: {  	_ =	shalt  }
0x48: {  	_ =	shalt  }
0x49: {  	_ =	shalt  }
0x4a: {  	_ =	shalt  }
0x4b: {  	_ =	shalt  }
0x4c: {  	_ =	shalt  }
0x4d: {  	_ =	shalt  }
0x4e: {  	_ =	shalt  }
0x4f: {  	_ =	shalt  }
0x50: {  	_ =	shalt  }
0x51: {  	_ =	shalt  }
0x52: {  	_ =	shalt  }
0x53: {  	_ =	shalt  }
0x54: {  	_ =	shalt  }
0x55: {  	_ =	shalt  }
0x56: {  	_ =	shalt  }
0x57: {  	_ =	shalt  }
0x58: {  	_ =	shalt  }
0x59: {  	_ =	shalt  }
0x5a: {  	_ =	shalt  }
0x5b: {  	_ =	shalt  }
0x5c: {  	_ =	shalt  }
0x5d: {  	_ =	shalt  }
0x5e: {  	_ =	shalt  }
0x5f: {  	_ =	shalt  }
0x60: {  	_ =	shalt  }
0x61: {  	_ =	shalt  }
0x62: {  	_ =	shalt  }
0x63: {  	_ =	shalt  }
0x64: {  	_ =	shalt  }
0x65: {  	_ =	shalt  }
0x66: {  	_ =	shalt  }
0x67: {  	_ =	shalt  }
0x68: {  	_ =	shalt  }
0x69: {  	_ =	shalt  }
0x6a: {  	_ =	shalt  }
0x6b: {  	_ =	shalt  }
0x6c: {  	_ =	shalt  }
0x6d: {  	_ =	shalt  }
0x6e: {  	_ =	shalt  }
0x6f: {  	_ =	shalt  }
0x70: {  	_ =	shalt  }
0x71: {  	_ =	shalt  }
0x72: {  	_ =	shalt  }
0x73: {  	_ =	shalt  }
0x74: {  	_ =	shalt  }
0x75: {  	_ =	shalt  }
0x76: {  	_ =	shalt  }
0x77: {  	_ =	shalt  }
0x78: {  	_ =	shalt  }
0x79: {  	_ =	shalt  }
0x7a: {  	_ =	shalt  }
0x7b: {  	_ =	shalt  }
0x7c: {  	_ =	shalt  }
0x7d: {  	_ =	shalt  }
0x7e: {  	_ =	shalt  }
0x7f: {  	_ =	shalt  }
0x80: {  	_ =	shalt  }
0x81: {  	_ =	shalt  }
0x82: {  	_ =	shalt  }
0x83: {  	_ =	shalt  }
0x84: {  	_ =	shalt  }
0x85: {  	_ =	shalt  }
0x86: {  	_ =	shalt  }
0x87: {  	_ =	shalt  }
.Lfunc_end0:
.L_simem_size_0:
called_computation_lowered:
.L_overlay_start_0:
0x88: {  	s2 =	sld [smem:$0x3FD9]  }
0x89: {  	s3 =	sld [smem:$0x3FFE];
	_ =	sdelay $0x1  }
0x8a: {  	s1 =	srdreg.scid  }
0x8b: {  	s0 =	sand.u32 $0x1, s1  }
0x8c: {  	s26 =	sshll.u32 s0, $0xA;
	s2 =	sadd.s32 s3, s2  }
0x8d: {  	s2 =	sadd.s32 s2, s26  }
0x8e: {  	[smem:$0x3FBF] =	sst s2  }
0x8f: {  	_ = 	snop  }
0x90: {  	s2 =	sld [smem:$0x3FD0];
	_ =	sdelay $0x2  }
0x91: {  	s28 =	simm.s32 $0xA;
	s4 =	simm.s32 $0x2A10  }
0x92: {  	[smem:s4], [sflag:s28] =	dma.local [hbm:s2], $0x1  }
0x93: {  	_ =	swait.eq [sflag:s28], $0x1  }
0x94: {  	[sflag:s28] =	ssyncset.done $0x0  }
0x95: {  	s4 =	simm.s32 $0x0;
	s2 =	sld [smem:$0x2A10];
	[sflag:s28] =	ssyncadd.s32 $0xFFFFFFFF  }
0x96: {  	[smem:$0xF] =	sst s4  }
0x97: {  	(tm) =	ssettm $0x1  }
0x98: {  	s29 =	sld [smem:$0x3FFB];
	_ =	sdelay $0x3  }
0x99: {  	_ =	strace s29  }
0x9a: {  	s3 =	sld [smem:$0x3FFC];
	_ =	sdelay $0x3  }
0x9b: {  	_ =	strace s3  }
0x9c: {  	s3 =	sld [smem:$0x3FFD];
	_ =	sdelay $0x3  }
0x9d: {  	_ =	strace s3  }
0x9e: {  	s30 =	simm.s32 $0x1B8B;
	_ =	strace $0x8FFFFFFF  }
0x9f: {  	_ =	swait.ge [sflag:s30], $0x1  }
0xa0: {  	s5 =	sld [smem:$0x3FFE]  }
0xa1: {  	[sflag:s30] =	ssyncset.done $0x0  }
0xa2: {  	s31 =	simm.s32 $0x1B8E;
	[sflag:s30] =	ssyncadd.s32 $0xFFFFFFFF  }
0xa3: {  	s6 =	simm.s32 $0x0;
	[smem:$0x3FD2] =	sst s31  }
0xa4: {  	_ =	strace $0x80000046;
	s3 =	sadd.s32 $0x800, s5;
	s5 =	simm.s32 $0x4  }
.LBB1_1:
0xa5: {  	p0 =	seq.s32 s5, $0x9FFC  }
0xa6: {  	[smem:s6+$0x10] =	sst s4;
	s6 =	smov.u32 s5;
	s5 =	sadd.s32 $0x4, s5  }
.Ltmp0:
0xa7: {  	(pc) =	sbr.rel @!p0 .LBB1_1-.Ltmp0, $2  }
0xa8: {  	_ =	sdelay $0x1  }
0xa9: {  	s6 =	sshra.s32 s6, $0x2  }
0xaa: {  	[smem:s6+$0x10] =	sst s4;
	s5 =	smul.u32 $0x13A00, s0  }
0xab: {  	s6 =	simm.s32 $0x0;
	s4 =	simm.s32 $0x9;
	s7 =	simm.s32 $0x2810  }
.LBB1_3:
0xac: {  	s8 =	sshll.u32 s6, $0x9  }
0xad: {  	s8 =	sadd.s32 s5, s8  }
0xae: {  	s8 =	sshrl.u32 s8, $0x3  }
0xaf: {  	s8 =	sadd.s32 s2, s8  }
0xb0: {  	[smem:s7], [sflag:s4] =	dma.local [hbm:s8], $0x40  }
0xb1: {  	_ =	swait.ge [sflag:s4], $0x40  }
0xb2: {  	[sflag:s4] =	ssyncset.done $0x0  }
0xb3: {  	s9 =	simm.s32 $0x0;
	s8 =	simm.s32 $0x4;
	[sflag:s4] =	ssyncadd.s32 $0xFFFFFFC0  }
.LBB1_4:
0xb4: {  	p0 =	sne.s32 s8, $0x7FC;
	s9 =	sld [smem:s9+$0x2810];
	_ =	sdelay $0x3  }
0xb5: {  	s10 =	sld [smem:s9+$0x10];
	_ =	sdelay $0x2  }
.Ltmp1:
0xb6: {  	(pc) =	sbr.rel @p0 .LBB1_4-.Ltmp1, $3  }
0xb7: {  	s10 =	sadd.f32 $1.000000000e+00, s10  }
0xb8: {  	s11 =	sadd.s32 $0x10, s9  }
0xb9: {  	s9 =	sshra.s32 s8, $0x2;
	s8 =	sadd.s32 $0x4, s8;
	[smem:s11] =	sst s10  }
0xba: {  	s8 =	sld [smem:s9+$0x2810];
	_ =	sdelay $0x3  }
0xbb: {  	s9 =	sld [smem:s8+$0x10];
	_ =	sdelay $0x1  }
0xbc: {  	s6 =	sadd.s32 $0x1, s6  }
0xbd: {  	p0 =	sne.s32 s6, $0x9D  }
0xbe: {  	s2 =	smul.u32 @!p0 $0x500, s0;
	s9 =	sadd.f32 $1.000000000e+00, s9  }
0xbf: {  	s8 =	sadd.s32 $0x10, s8  }
0xc0: {  	s2 =	sadd.s32 @!p0 s2, s3;
	s3 =	simm.s32 @!p0 $0x10;
	[smem:s8] =	sst s9  }
0xc1: {  	[hbm:s2], [sflag:s4] =	dma.local @!p0 [smem:s3], $0x500  }
0xc2: {  	s2 =	simm.s32 @!p0 $0x9  }
0xc3: {  	_ =	swait.ge @!p0 [sflag:s2], $0x500  }
0xc4: {  	[sflag:s2] =	ssyncset.done @!p0 $0x0  }
0xc5: {  	[sflag:s2] =	ssyncadd.s32 @!p0 $0xFFFFFB00  }
0xc6: {  	_ =	strace @!p0 $0x90000046  }
0xc7: {  	_ =	sfence @!p0  }
0xc8: {  	s2 =	sld @!p0 [smem:$0x0];
	_ =	sdelay $0x2  }
0xc9: {  	s3 =	sshll.u32 @!p0 s1, $0xD;
	s1 =	sshrl.u32 @!p0 s1, $0x2  }
0xca: {  	s3 =	sand.u32 @!p0 $0x4000, s3;
	s1 =	sadd.s32 @!p0 s1, s2  }
0xcb: {  	s0 =	sor.u32 @!p0 s3, s0;
	s1 =	sshll.u32 @!p0 s1, $0x11  }
0xcc: {  	s0 =	sor.u32 @!p0 s1, s0  }
0xcd: {  	s0 =	sadd.s32 @!p0 $0x8F2B, s0;
	(pc) =	sbr.abs @!p0 _section_cstart, $3  }
0xce: {  	[sflag:s0] =	ssyncadd.remote.s32 @!p0 $0x1  }
0xcf: {  	_ =	strace @!p0 $0x9FFFFFFF  }
0xd0: {  	(tm) =	ssettm @!p0 $0x7FFFFFFF  }
.Ltmp2:
0xd1: {  	_ = 	snop;
	(pc) =	sbr.rel .LBB1_3-.Ltmp2, $1  }
0xd2: {  	_ =	sdelay $0x2  }
0xd3: {  	_ =	shalt  }

</sc_bundles>
